<compile_context>
chip_gen: v7x
topology: tpu7x:2x2x1
jax: 0.10.2.dev20260603
libtpu: 0.0.44.dev20260713+nightly
codegen_flags: <defaults>
</compile_context>

<pallas_src>
import functools

import jax
import jax.numpy as jnp
from jax import lax
from jax.experimental import pallas as pl
from jax.experimental.pallas import tpu as pltpu
from jax.experimental.pallas import tpu_sc as plsc

NC, NS, L = 2, 16, 16
NW = NC * NS
B, N, S = 64, 128, 2
HW = 128 * 128
BPW = B // NW
PW = BPW * N
GW = 128


def _sc_gather(out_flat, ind_flat):
    mesh = plsc.VectorSubcoreMesh(
        core_axis_name="c", subcore_axis_name="s",
        num_cores=NC, num_subcores=NS)

    @functools.partial(
        pl.kernel,
        out_type=jax.ShapeDtypeStruct((S * B * N // GW, GW), jnp.float32),
        mesh=mesh,
        scratch_types=[
            pltpu.VMEM((PW,), jnp.int32),
            pltpu.VMEM((2 * S, GW), jnp.int32),
            pltpu.VMEM((2 * S, GW), jnp.float32),
            pltpu.SemaphoreType.DMA,
            pltpu.SemaphoreType.DMA,
        ],
    )
    def k(out_hbm, ind_hbm, pred_hbm, ind_v, pix_v, p_v, sem, wsem):
        wid = lax.axis_index("s") * NC + lax.axis_index("c")
        b0 = wid * BPW
        p0 = wid * PW
        pltpu.sync_copy(ind_hbm.at[pl.ds(p0, PW)], ind_v)
        for j in range(BPW):
            base = (b0 + j) * (S * HW)
            for i in range(N // L):
                c = ind_v[pl.ds(j * N + i * L, L)]
                pix_v[j, pl.ds(i * L, L)] = c + base
                pix_v[S + j, pl.ds(i * L, L)] = c + (base + HW)
        gs = [pltpu.async_copy(out_hbm.at[pix_v.at[r]], p_v.at[r], sem)
              for r in range(2 * S)]
        for g in gs:
            g.wait()
        w0 = pltpu.async_copy(
            p_v.at[pl.ds(0, S)], pred_hbm.at[pl.ds(S * wid, S)], wsem)
        w1 = pltpu.async_copy(
            p_v.at[pl.ds(S, S)],
            pred_hbm.at[pl.ds(B * N // GW + S * wid, S)], wsem)
        w0.wait()
        w1.wait()

    return k(out_flat, ind_flat)


def _tc_loss(pred, tgt_planes, mask):
    def k(p_ref, t_ref, m_ref, o_ref):
        p = p_ref[...]
        t = t_ref[...]
        m = m_ref[...]
        num = jnp.sum(jnp.abs(p * m - t * m), keepdims=True)
        den = jnp.sum(m, keepdims=True) + 0.0001
        o_ref[...] = num[0] / den

    return pl.pallas_call(
        k, out_shape=jax.ShapeDtypeStruct((1, 1), jnp.float32),
    )(pred, tgt_planes, mask)


def kernel(out, target, ind, mask):
    pred = _sc_gather(out.reshape(-1), ind.reshape(-1))
    tgt_planes = jnp.moveaxis(target, 2, 0)
    r = _tc_loss(pred.reshape(S, B, N), tgt_planes, mask)
    return r.reshape(())

# --- scband reference (transcript-rebuilt; emitter-appended) ---
"""Pipeline reference for scband-l1-loss-8400956031597 (READ-ONLY COPY).

The authoritative reference and input builder live on the scoring server;
editing this copy changes nothing except your own understanding.
"""

import jax, jax.numpy as jnp
import numpy as np


def setup_inputs(seed: int = 0) -> dict:
    key = jax.random.key(seed)
    k1, k2, k3, k4 = jax.random.split(key, 4)
    out = jax.random.normal(k1, (64, 2, 128, 128), dtype=jnp.float32)
    target = jax.random.normal(k2, (64, 128, 2), dtype=jnp.float32)
    ind = jax.random.randint(k3, (64, 128), 0, 128 * 128, dtype=jnp.int32)
    mask = jax.random.uniform(k4, (64, 128), dtype=jnp.float32)
    return {"out": out, "target": target, "ind": ind, "mask": mask}


def gather_from_maps(maps, ind):
    # maps: b x s x h x w, ind: b x n -> b x n x s
    b, s, h, w = maps.shape
    maps = jnp.transpose(maps, (0, 2, 3, 1)).reshape(b, h * w, s)
    pred = jnp.take_along_axis(maps, ind[:, :, None], axis=1)
    return pred


def reference(out, target, ind, mask):
    pred = gather_from_maps(out, ind)
    m = mask[:, :, None]
    loss = jnp.sum(jnp.abs(pred * m - target * m))
    loss = loss / (jnp.sum(m) + 0.0001)
    return loss

if __name__ == "__main__":
    import jax
    _d = setup_inputs()
    print(jax.jit(kernel)(*tuple(_d.values())))

</pallas_src>

<mosaic_0001>
#map = affine_map<(d0, d1) -> (0)>
#map1 = affine_map<(d0, d1) -> (0, 0)>
module attributes {stable_mosaic.version = 14 : i64} {
  func.func @k(%arg0: i32, %arg1: i32, %arg2: memref<2097152xf32, #tpu.memory_space<hbm>>, %arg3: memref<8192xi32, #tpu.memory_space<hbm>>, %arg4: memref<128x128xf32, #tpu.memory_space<hbm>>, %arg5: memref<256xi32, #tpu.memory_space<vmem>>, %arg6: memref<4x128xi32, #tpu.memory_space<vmem>>, %arg7: memref<4x128xf32, #tpu.memory_space<vmem>>, %arg8: memref<!tpu.dma_semaphore, #tpu.memory_space<semaphore_mem>>, %arg9: memref<!tpu.dma_semaphore, #tpu.memory_space<semaphore_mem>>) attributes {dimension_semantics = [#tpu.dimension_semantics<core_parallel>, #tpu.dimension_semantics<subcore_parallel>], iteration_bounds = array<i64: 2, 16>, scalar_prefetch = 0 : i64, scratch_operands = 5 : i64, tpu.core_type = #tpu.core_type<sc_vector_subcore>, window_params = [{transform_indices = #map}, {transform_indices = #map}, {transform_indices = #map1}]} {
    %mul3A = arith.constant 2 : i32
    %mul3A_0 = arith.muli %arg1, %mul3A : i32
    %add3A = arith.addi %mul3A_0, %arg0 : i32
    %mul3A_1 = arith.constant 2 : i32
    %mul3A_2 = arith.muli %add3A, %mul3A_1 : i32
    %mul3A_3 = arith.constant 256 : i32
    %mul3A_4 = arith.muli %add3A, %mul3A_3 : i32
    "tpu.region"() ({
      %run_scoped3A = tpu.sem_alloc : memref<!tpu.dma_semaphore, #tpu.memory_space<semaphore_mem>>
      %dma_start3A_471 = tpu.memref_slice %arg3[%mul3A_4] : memref<8192xi32, #tpu.memory_space<hbm>> -> memref<256xi32, #tpu.memory_space<hbm>>
      %dma_start3A_472 = tpu.memref_slice %arg3[%mul3A_4] : memref<8192xi32, #tpu.memory_space<hbm>> -> memref<256xi32, #tpu.memory_space<hbm>>
      tpu.enqueue_dma source(%dma_start3A_472 : memref<256xi32, #tpu.memory_space<hbm>>) target(%arg5 : memref<256xi32, #tpu.memory_space<vmem>>) target_semaphore(%run_scoped3A : memref<!tpu.dma_semaphore, #tpu.memory_space<semaphore_mem>>)
      %dma_wait3A_473 = tpu.memref_slice %arg3[%mul3A_4] : memref<8192xi32, #tpu.memory_space<hbm>> -> memref<256xi32, #tpu.memory_space<hbm>>
      %dma_wait3A_474 = tpu.memref_slice %arg3[%mul3A_4] : memref<8192xi32, #tpu.memory_space<hbm>> -> memref<256xi32, #tpu.memory_space<hbm>>
      tpu.wait_dma2 semaphore(%run_scoped3A : memref<!tpu.dma_semaphore, #tpu.memory_space<semaphore_mem>>) src(%dma_wait3A_474 : memref<256xi32, #tpu.memory_space<hbm>>) dst(%arg5 : memref<256xi32, #tpu.memory_space<vmem>>)
      tpu.yield
    }) : () -> ()
    %add3A_5 = arith.constant 0 : i32
    %add3A_6 = arith.addi %mul3A_2, %add3A_5 : i32
    %mul3A_7 = arith.constant 32768 : i32
    %mul3A_8 = arith.muli %add3A_6, %mul3A_7 : i32
    %get3A = arith.constant 0 : index
    %get3A_9 = tpu.vector_load %arg5[%get3A] {strides = array<i32>} : memref<256xi32, #tpu.memory_space<vmem>>, vector<16xi32>,
    %get3A_10 = vector.shape_cast %get3A_9 : vector<16xi32> to vector<16xi32>
    %add3A_11 = vector.broadcast %mul3A_8 : i32 to vector<16xi32>
    %add3A_12 = arith.addi %get3A_10, %add3A_11 : vector<16xi32>
    %swap3A = arith.constant 0 : i32
    %swap3A_13 = arith.index_cast %swap3A : i32 to index
    %swap3A_14 = arith.constant 0 : index
    %swap3A_15 = tpu.vector_load %arg6[%swap3A_13, %swap3A_14] {strides = array<i32>} : memref<4x128xi32, #tpu.memory_space<vmem>>, vector<1x16xi32>,
    %swap3A_16 = vector.shape_cast %swap3A_15 : vector<1x16xi32> to vector<16xi32>
    %swap3A_17 = vector.shape_cast %add3A_12 : vector<16xi32> to vector<1x16xi32>
    tpu.vector_store %arg6[%swap3A_13, %swap3A_14], %swap3A_17 {strides = array<i32>} : memref<4x128xi32, #tpu.memory_space<vmem>>, vector<1x16xi32>,
    %add3A_18 = arith.constant 16384 : i32
    %add3A_19 = arith.addi %mul3A_8, %add3A_18 : i32
    %add3A_20 = vector.broadcast %add3A_19 : i32 to vector<16xi32>
    %add3A_21 = arith.addi %get3A_10, %add3A_20 : vector<16xi32>
    %swap3A_22 = arith.constant 2 : i32
    %swap3A_23 = arith.index_cast %swap3A_22 : i32 to index
    %swap3A_24 = arith.constant 0 : index
    %swap3A_25 = tpu.vector_load %arg6[%swap3A_23, %swap3A_24] {strides = array<i32>} : memref<4x128xi32, #tpu.memory_space<vmem>>, vector<1x16xi32>,
    %swap3A_26 = vector.shape_cast %swap3A_25 : vector<1x16xi32> to vector<16xi32>
    %swap3A_27 = vector.shape_cast %add3A_21 : vector<16xi32> to vector<1x16xi32>
    tpu.vector_store %arg6[%swap3A_23, %swap3A_24], %swap3A_27 {strides = array<i32>} : memref<4x128xi32, #tpu.memory_space<vmem>>, vector<1x16xi32>,
    %get3A_28 = arith.constant 16 : index
    %get3A_29 = tpu.vector_load %arg5[%get3A_28] {strides = array<i32>} : memref<256xi32, #tpu.memory_space<vmem>>, vector<16xi32>,
    %get3A_30 = vector.shape_cast %get3A_29 : vector<16xi32> to vector<16xi32>
    %add3A_31 = vector.broadcast %mul3A_8 : i32 to vector<16xi32>
    %add3A_32 = arith.addi %get3A_30, %add3A_31 : vector<16xi32>
    %swap3A_33 = arith.constant 0 : i32
    %swap3A_34 = arith.index_cast %swap3A_33 : i32 to index
    %swap3A_35 = arith.constant 16 : index
    %swap3A_36 = tpu.vector_load %arg6[%swap3A_34, %swap3A_35] {strides = array<i32>} : memref<4x128xi32, #tpu.memory_space<vmem>>, vector<1x16xi32>,
    %swap3A_37 = vector.shape_cast %swap3A_36 : vector<1x16xi32> to vector<16xi32>
    %swap3A_38 = vector.shape_cast %add3A_32 : vector<16xi32> to vector<1x16xi32>
    tpu.vector_store %arg6[%swap3A_34, %swap3A_35], %swap3A_38 {strides = array<i32>} : memref<4x128xi32, #tpu.memory_space<vmem>>, vector<1x16xi32>,
    %add3A_39 = arith.constant 16384 : i32
    %add3A_40 = arith.addi %mul3A_8, %add3A_39 : i32
    %add3A_41 = vector.broadcast %add3A_40 : i32 to vector<16xi32>
    %add3A_42 = arith.addi %get3A_30, %add3A_41 : vector<16xi32>
    %swap3A_43 = arith.constant 2 : i32
    %swap3A_44 = arith.index_cast %swap3A_43 : i32 to index
    %swap3A_45 = arith.constant 16 : index
    %swap3A_46 = tpu.vector_load %arg6[%swap3A_44, %swap3A_45] {strides = array<i32>} : memref<4x128xi32, #tpu.memory_space<vmem>>, vector<1x16xi32>,
    %swap3A_47 = vector.shape_cast %swap3A_46 : vector<1x16xi32> to vector<16xi32>
    %swap3A_48 = vector.shape_cast %add3A_42 : vector<16xi32> to vector<1x16xi32>
    tpu.vector_store %arg6[%swap3A_44, %swap3A_45], %swap3A_48 {strides = array<i32>} : memref<4x128xi32, #tpu.memory_space<vmem>>, vector<1x16xi32>,
    %get3A_49 = arith.constant 32 : index
    %get3A_50 = tpu.vector_load %arg5[%get3A_49] {strides = array<i32>} : memref<256xi32, #tpu.memory_space<vmem>>, vector<16xi32>,
    %get3A_51 = vector.shape_cast %get3A_50 : vector<16xi32> to vector<16xi32>
    %add3A_52 = vector.broadcast %mul3A_8 : i32 to vector<16xi32>
    %add3A_53 = arith.addi %get3A_51, %add3A_52 : vector<16xi32>
    %swap3A_54 = arith.constant 0 : i32
    %swap3A_55 = arith.index_cast %swap3A_54 : i32 to index
    %swap3A_56 = arith.constant 32 : index
    %swap3A_57 = tpu.vector_load %arg6[%swap3A_55, %swap3A_56] {strides = array<i32>} : memref<4x128xi32, #tpu.memory_space<vmem>>, vector<1x16xi32>,
    %swap3A_58 = vector.shape_cast %swap3A_57 : vector<1x16xi32> to vector<16xi32>
    %swap3A_59 = vector.shape_cast %add3A_53 : vector<16xi32> to vector<1x16xi32>
    tpu.vector_store %arg6[%swap3A_55, %swap3A_56], %swap3A_59 {strides = array<i32>} : memref<4x128xi32, #tpu.memory_space<vmem>>, vector<1x16xi32>,
    %add3A_60 = arith.constant 16384 : i32
    %add3A_61 = arith.addi %mul3A_8, %add3A_60 : i32
    %add3A_62 = vector.broadcast %add3A_61 : i32 to vector<16xi32>
    %add3A_63 = arith.addi %get3A_51, %add3A_62 : vector<16xi32>
    %swap3A_64 = arith.constant 2 : i32
    %swap3A_65 = arith.index_cast %swap3A_64 : i32 to index
    %swap3A_66 = arith.constant 32 : index
    %swap3A_67 = tpu.vector_load %arg6[%swap3A_65, %swap3A_66] {strides = array<i32>} : memref<4x128xi32, #tpu.memory_space<vmem>>, vector<1x16xi32>,
    %swap3A_68 = vector.shape_cast %swap3A_67 : vector<1x16xi32> to vector<16xi32>
    %swap3A_69 = vector.shape_cast %add3A_63 : vector<16xi32> to vector<1x16xi32>
    tpu.vector_store %arg6[%swap3A_65, %swap3A_66], %swap3A_69 {strides = array<i32>} : memref<4x128xi32, #tpu.memory_space<vmem>>, vector<1x16xi32>,
    %get3A_70 = arith.constant 48 : index
    %get3A_71 = tpu.vector_load %arg5[%get3A_70] {strides = array<i32>} : memref<256xi32, #tpu.memory_space<vmem>>, vector<16xi32>,
    %get3A_72 = vector.shape_cast %get3A_71 : vector<16xi32> to vector<16xi32>
    %add3A_73 = vector.broadcast %mul3A_8 : i32 to vector<16xi32>
    %add3A_74 = arith.addi %get3A_72, %add3A_73 : vector<16xi32>
    %swap3A_75 = arith.constant 0 : i32
    %swap3A_76 = arith.index_cast %swap3A_75 : i32 to index
    %swap3A_77 = arith.constant 48 : index
    %swap3A_78 = tpu.vector_load %arg6[%swap3A_76, %swap3A_77] {strides = array<i32>} : memref<4x128xi32, #tpu.memory_space<vmem>>, vector<1x16xi32>,
    %swap3A_79 = vector.shape_cast %swap3A_78 : vector<1x16xi32> to vector<16xi32>
    %swap3A_80 = vector.shape_cast %add3A_74 : vector<16xi32> to vector<1x16xi32>
    tpu.vector_store %arg6[%swap3A_76, %swap3A_77], %swap3A_80 {strides = array<i32>} : memref<4x128xi32, #tpu.memory_space<vmem>>, vector<1x16xi32>,
    %add3A_81 = arith.constant 16384 : i32
    %add3A_82 = arith.addi %mul3A_8, %add3A_81 : i32
    %add3A_83 = vector.broadcast %add3A_82 : i32 to vector<16xi32>
    %add3A_84 = arith.addi %get3A_72, %add3A_83 : vector<16xi32>
    %swap3A_85 = arith.constant 2 : i32
    %swap3A_86 = arith.index_cast %swap3A_85 : i32 to index
    %swap3A_87 = arith.constant 48 : index
    %swap3A_88 = tpu.vector_load %arg6[%swap3A_86, %swap3A_87] {strides = array<i32>} : memref<4x128xi32, #tpu.memory_space<vmem>>, vector<1x16xi32>,
    %swap3A_89 = vector.shape_cast %swap3A_88 : vector<1x16xi32> to vector<16xi32>
    %swap3A_90 = vector.shape_cast %add3A_84 : vector<16xi32> to vector<1x16xi32>
    tpu.vector_store %arg6[%swap3A_86, %swap3A_87], %swap3A_90 {strides = array<i32>} : memref<4x128xi32, #tpu.memory_space<vmem>>, vector<1x16xi32>,
    %get3A_91 = arith.constant 64 : index
    %get3A_92 = tpu.vector_load %arg5[%get3A_91] {strides = array<i32>} : memref<256xi32, #tpu.memory_space<vmem>>, vector<16xi32>,
    %get3A_93 = vector.shape_cast %get3A_92 : vector<16xi32> to vector<16xi32>
    %add3A_94 = vector.broadcast %mul3A_8 : i32 to vector<16xi32>
    %add3A_95 = arith.addi %get3A_93, %add3A_94 : vector<16xi32>
    %swap3A_96 = arith.constant 0 : i32
    %swap3A_97 = arith.index_cast %swap3A_96 : i32 to index
    %swap3A_98 = arith.constant 64 : index
    %swap3A_99 = tpu.vector_load %arg6[%swap3A_97, %swap3A_98] {strides = array<i32>} : memref<4x128xi32, #tpu.memory_space<vmem>>, vector<1x16xi32>,
    %swap3A_100 = vector.shape_cast %swap3A_99 : vector<1x16xi32> to vector<16xi32>
    %swap3A_101 = vector.shape_cast %add3A_95 : vector<16xi32> to vector<1x16xi32>
    tpu.vector_store %arg6[%swap3A_97, %swap3A_98], %swap3A_101 {strides = array<i32>} : memref<4x128xi32, #tpu.memory_space<vmem>>, vector<1x16xi32>,
    %add3A_102 = arith.constant 16384 : i32
    %add3A_103 = arith.addi %mul3A_8, %add3A_102 : i32
    %add3A_104 = vector.broadcast %add3A_103 : i32 to vector<16xi32>
    %add3A_105 = arith.addi %get3A_93, %add3A_104 : vector<16xi32>
    %swap3A_106 = arith.constant 2 : i32
    %swap3A_107 = arith.index_cast %swap3A_106 : i32 to index
    %swap3A_108 = arith.constant 64 : index
    %swap3A_109 = tpu.vector_load %arg6[%swap3A_107, %swap3A_108] {strides = array<i32>} : memref<4x128xi32, #tpu.memory_space<vmem>>, vector<1x16xi32>,
    %swap3A_110 = vector.shape_cast %swap3A_109 : vector<1x16xi32> to vector<16xi32>
    %swap3A_111 = vector.shape_cast %add3A_105 : vector<16xi32> to vector<1x16xi32>
    tpu.vector_store %arg6[%swap3A_107, %swap3A_108], %swap3A_111 {strides = array<i32>} : memref<4x128xi32, #tpu.memory_space<vmem>>, vector<1x16xi32>,
    %get3A_112 = arith.constant 80 : index
    %get3A_113 = tpu.vector_load %arg5[%get3A_112] {strides = array<i32>} : memref<256xi32, #tpu.memory_space<vmem>>, vector<16xi32>,
    %get3A_114 = vector.shape_cast %get3A_113 : vector<16xi32> to vector<16xi32>
    %add3A_115 = vector.broadcast %mul3A_8 : i32 to vector<16xi32>
    %add3A_116 = arith.addi %get3A_114, %add3A_115 : vector<16xi32>
    %swap3A_117 = arith.constant 0 : i32
    %swap3A_118 = arith.index_cast %swap3A_117 : i32 to index
    %swap3A_119 = arith.constant 80 : index
    %swap3A_120 = tpu.vector_load %arg6[%swap3A_118, %swap3A_119] {strides = array<i32>} : memref<4x128xi32, #tpu.memory_space<vmem>>, vector<1x16xi32>,
    %swap3A_121 = vector.shape_cast %swap3A_120 : vector<1x16xi32> to vector<16xi32>
    %swap3A_122 = vector.shape_cast %add3A_116 : vector<16xi32> to vector<1x16xi32>
    tpu.vector_store %arg6[%swap3A_118, %swap3A_119], %swap3A_122 {strides = array<i32>} : memref<4x128xi32, #tpu.memory_space<vmem>>, vector<1x16xi32>,
    %add3A_123 = arith.constant 16384 : i32
    %add3A_124 = arith.addi %mul3A_8, %add3A_123 : i32
    %add3A_125 = vector.broadcast %add3A_124 : i32 to vector<16xi32>
    %add3A_126 = arith.addi %get3A_114, %add3A_125 : vector<16xi32>
    %swap3A_127 = arith.constant 2 : i32
    %swap3A_128 = arith.index_cast %swap3A_127 : i32 to index
    %swap3A_129 = arith.constant 80 : index
    %swap3A_130 = tpu.vector_load %arg6[%swap3A_128, %swap3A_129] {strides = array<i32>} : memref<4x128xi32, #tpu.memory_space<vmem>>, vector<1x16xi32>,
    %swap3A_131 = vector.shape_cast %swap3A_130 : vector<1x16xi32> to vector<16xi32>
    %swap3A_132 = vector.shape_cast %add3A_126 : vector<16xi32> to vector<1x16xi32>
    tpu.vector_store %arg6[%swap3A_128, %swap3A_129], %swap3A_132 {strides = array<i32>} : memref<4x128xi32, #tpu.memory_space<vmem>>, vector<1x16xi32>,
    %get3A_133 = arith.constant 96 : index
    %get3A_134 = tpu.vector_load %arg5[%get3A_133] {strides = array<i32>} : memref<256xi32, #tpu.memory_space<vmem>>, vector<16xi32>,
    %get3A_135 = vector.shape_cast %get3A_134 : vector<16xi32> to vector<16xi32>
    %add3A_136 = vector.broadcast %mul3A_8 : i32 to vector<16xi32>
    %add3A_137 = arith.addi %get3A_135, %add3A_136 : vector<16xi32>
    %swap3A_138 = arith.constant 0 : i32
    %swap3A_139 = arith.index_cast %swap3A_138 : i32 to index
    %swap3A_140 = arith.constant 96 : index
    %swap3A_141 = tpu.vector_load %arg6[%swap3A_139, %swap3A_140] {strides = array<i32>} : memref<4x128xi32, #tpu.memory_space<vmem>>, vector<1x16xi32>,
    %swap3A_142 = vector.shape_cast %swap3A_141 : vector<1x16xi32> to vector<16xi32>
    %swap3A_143 = vector.shape_cast %add3A_137 : vector<16xi32> to vector<1x16xi32>
    tpu.vector_store %arg6[%swap3A_139, %swap3A_140], %swap3A_143 {strides = array<i32>} : memref<4x128xi32, #tpu.memory_space<vmem>>, vector<1x16xi32>,
    %add3A_144 = arith.constant 16384 : i32
    %add3A_145 = arith.addi %mul3A_8, %add3A_144 : i32
    %add3A_146 = vector.broadcast %add3A_145 : i32 to vector<16xi32>
    %add3A_147 = arith.addi %get3A_135, %add3A_146 : vector<16xi32>
    %swap3A_148 = arith.constant 2 : i32
    %swap3A_149 = arith.index_cast %swap3A_148 : i32 to index
    %swap3A_150 = arith.constant 96 : index
    %swap3A_151 = tpu.vector_load %arg6[%swap3A_149, %swap3A_150] {strides = array<i32>} : memref<4x128xi32, #tpu.memory_space<vmem>>, vector<1x16xi32>,
    %swap3A_152 = vector.shape_cast %swap3A_151 : vector<1x16xi32> to vector<16xi32>
    %swap3A_153 = vector.shape_cast %add3A_147 : vector<16xi32> to vector<1x16xi32>
    tpu.vector_store %arg6[%swap3A_149, %swap3A_150], %swap3A_153 {strides = array<i32>} : memref<4x128xi32, #tpu.memory_space<vmem>>, vector<1x16xi32>,
    %get3A_154 = arith.constant 112 : index
    %get3A_155 = tpu.vector_load %arg5[%get3A_154] {strides = array<i32>} : memref<256xi32, #tpu.memory_space<vmem>>, vector<16xi32>,
    %get3A_156 = vector.shape_cast %get3A_155 : vector<16xi32> to vector<16xi32>
    %add3A_157 = vector.broadcast %mul3A_8 : i32 to vector<16xi32>
    %add3A_158 = arith.addi %get3A_156, %add3A_157 : vector<16xi32>
    %swap3A_159 = arith.constant 0 : i32
    %swap3A_160 = arith.index_cast %swap3A_159 : i32 to index
    %swap3A_161 = arith.constant 112 : index
    %swap3A_162 = tpu.vector_load %arg6[%swap3A_160, %swap3A_161] {strides = array<i32>} : memref<4x128xi32, #tpu.memory_space<vmem>>, vector<1x16xi32>,
    %swap3A_163 = vector.shape_cast %swap3A_162 : vector<1x16xi32> to vector<16xi32>
    %swap3A_164 = vector.shape_cast %add3A_158 : vector<16xi32> to vector<1x16xi32>
    tpu.vector_store %arg6[%swap3A_160, %swap3A_161], %swap3A_164 {strides = array<i32>} : memref<4x128xi32, #tpu.memory_space<vmem>>, vector<1x16xi32>,
    %add3A_165 = arith.constant 16384 : i32
    %add3A_166 = arith.addi %mul3A_8, %add3A_165 : i32
    %add3A_167 = vector.broadcast %add3A_166 : i32 to vector<16xi32>
    %add3A_168 = arith.addi %get3A_156, %add3A_167 : vector<16xi32>
    %swap3A_169 = arith.constant 2 : i32
    %swap3A_170 = arith.index_cast %swap3A_169 : i32 to index
    %swap3A_171 = arith.constant 112 : index
    %swap3A_172 = tpu.vector_load %arg6[%swap3A_170, %swap3A_171] {strides = array<i32>} : memref<4x128xi32, #tpu.memory_space<vmem>>, vector<1x16xi32>,
    %swap3A_173 = vector.shape_cast %swap3A_172 : vector<1x16xi32> to vector<16xi32>
    %swap3A_174 = vector.shape_cast %add3A_168 : vector<16xi32> to vector<1x16xi32>
    tpu.vector_store %arg6[%swap3A_170, %swap3A_171], %swap3A_174 {strides = array<i32>} : memref<4x128xi32, #tpu.memory_space<vmem>>, vector<1x16xi32>,
    %add3A_175 = arith.constant 1 : i32
    %add3A_176 = arith.addi %mul3A_2, %add3A_175 : i32
    %mul3A_177 = arith.constant 32768 : i32
    %mul3A_178 = arith.muli %add3A_176, %mul3A_177 : i32
    %get3A_179 = arith.constant 128 : index
    %get3A_180 = tpu.vector_load %arg5[%get3A_179] {strides = array<i32>} : memref<256xi32, #tpu.memory_space<vmem>>, vector<16xi32>,
    %get3A_181 = vector.shape_cast %get3A_180 : vector<16xi32> to vector<16xi32>
    %add3A_182 = vector.broadcast %mul3A_178 : i32 to vector<16xi32>
    %add3A_183 = arith.addi %get3A_181, %add3A_182 : vector<16xi32>
    %swap3A_184 = arith.constant 1 : i32
    %swap3A_185 = arith.index_cast %swap3A_184 : i32 to index
    %swap3A_186 = arith.constant 0 : index
    %swap3A_187 = tpu.vector_load %arg6[%swap3A_185, %swap3A_186] {strides = array<i32>} : memref<4x128xi32, #tpu.memory_space<vmem>>, vector<1x16xi32>,
    %swap3A_188 = vector.shape_cast %swap3A_187 : vector<1x16xi32> to vector<16xi32>
    %swap3A_189 = vector.shape_cast %add3A_183 : vector<16xi32> to vector<1x16xi32>
    tpu.vector_store %arg6[%swap3A_185, %swap3A_186], %swap3A_189 {strides = array<i32>} : memref<4x128xi32, #tpu.memory_space<vmem>>, vector<1x16xi32>,
    %add3A_190 = arith.constant 16384 : i32
    %add3A_191 = arith.addi %mul3A_178, %add3A_190 : i32
    %add3A_192 = vector.broadcast %add3A_191 : i32 to vector<16xi32>
    %add3A_193 = arith.addi %get3A_181, %add3A_192 : vector<16xi32>
    %swap3A_194 = arith.constant 3 : i32
    %swap3A_195 = arith.index_cast %swap3A_194 : i32 to index
    %swap3A_196 = arith.constant 0 : index
    %swap3A_197 = tpu.vector_load %arg6[%swap3A_195, %swap3A_196] {strides = array<i32>} : memref<4x128xi32, #tpu.memory_space<vmem>>, vector<1x16xi32>,
    %swap3A_198 = vector.shape_cast %swap3A_197 : vector<1x16xi32> to vector<16xi32>
    %swap3A_199 = vector.shape_cast %add3A_193 : vector<16xi32> to vector<1x16xi32>
    tpu.vector_store %arg6[%swap3A_195, %swap3A_196], %swap3A_199 {strides = array<i32>} : memref<4x128xi32, #tpu.memory_space<vmem>>, vector<1x16xi32>,
    %get3A_200 = arith.constant 144 : index
    %get3A_201 = tpu.vector_load %arg5[%get3A_200] {strides = array<i32>} : memref<256xi32, #tpu.memory_space<vmem>>, vector<16xi32>,
    %get3A_202 = vector.shape_cast %get3A_201 : vector<16xi32> to vector<16xi32>
    %add3A_203 = vector.broadcast %mul3A_178 : i32 to vector<16xi32>
    %add3A_204 = arith.addi %get3A_202, %add3A_203 : vector<16xi32>
    %swap3A_205 = arith.constant 1 : i32
    %swap3A_206 = arith.index_cast %swap3A_205 : i32 to index
    %swap3A_207 = arith.constant 16 : index
    %swap3A_208 = tpu.vector_load %arg6[%swap3A_206, %swap3A_207] {strides = array<i32>} : memref<4x128xi32, #tpu.memory_space<vmem>>, vector<1x16xi32>,
    %swap3A_209 = vector.shape_cast %swap3A_208 : vector<1x16xi32> to vector<16xi32>
    %swap3A_210 = vector.shape_cast %add3A_204 : vector<16xi32> to vector<1x16xi32>
    tpu.vector_store %arg6[%swap3A_206, %swap3A_207], %swap3A_210 {strides = array<i32>} : memref<4x128xi32, #tpu.memory_space<vmem>>, vector<1x16xi32>,
    %add3A_211 = arith.constant 16384 : i32
    %add3A_212 = arith.addi %mul3A_178, %add3A_211 : i32
    %add3A_213 = vector.broadcast %add3A_212 : i32 to vector<16xi32>
    %add3A_214 = arith.addi %get3A_202, %add3A_213 : vector<16xi32>
    %swap3A_215 = arith.constant 3 : i32
    %swap3A_216 = arith.index_cast %swap3A_215 : i32 to index
    %swap3A_217 = arith.constant 16 : index
    %swap3A_218 = tpu.vector_load %arg6[%swap3A_216, %swap3A_217] {strides = array<i32>} : memref<4x128xi32, #tpu.memory_space<vmem>>, vector<1x16xi32>,
    %swap3A_219 = vector.shape_cast %swap3A_218 : vector<1x16xi32> to vector<16xi32>
    %swap3A_220 = vector.shape_cast %add3A_214 : vector<16xi32> to vector<1x16xi32>
    tpu.vector_store %arg6[%swap3A_216, %swap3A_217], %swap3A_220 {strides = array<i32>} : memref<4x128xi32, #tpu.memory_space<vmem>>, vector<1x16xi32>,
    %get3A_221 = arith.constant 160 : index
    %get3A_222 = tpu.vector_load %arg5[%get3A_221] {strides = array<i32>} : memref<256xi32, #tpu.memory_space<vmem>>, vector<16xi32>,
    %get3A_223 = vector.shape_cast %get3A_222 : vector<16xi32> to vector<16xi32>
    %add3A_224 = vector.broadcast %mul3A_178 : i32 to vector<16xi32>
    %add3A_225 = arith.addi %get3A_223, %add3A_224 : vector<16xi32>
    %swap3A_226 = arith.constant 1 : i32
    %swap3A_227 = arith.index_cast %swap3A_226 : i32 to index
    %swap3A_228 = arith.constant 32 : index
    %swap3A_229 = tpu.vector_load %arg6[%swap3A_227, %swap3A_228] {strides = array<i32>} : memref<4x128xi32, #tpu.memory_space<vmem>>, vector<1x16xi32>,
    %swap3A_230 = vector.shape_cast %swap3A_229 : vector<1x16xi32> to vector<16xi32>
    %swap3A_231 = vector.shape_cast %add3A_225 : vector<16xi32> to vector<1x16xi32>
    tpu.vector_store %arg6[%swap3A_227, %swap3A_228], %swap3A_231 {strides = array<i32>} : memref<4x128xi32, #tpu.memory_space<vmem>>, vector<1x16xi32>,
    %add3A_232 = arith.constant 16384 : i32
    %add3A_233 = arith.addi %mul3A_178, %add3A_232 : i32
    %add3A_234 = vector.broadcast %add3A_233 : i32 to vector<16xi32>
    %add3A_235 = arith.addi %get3A_223, %add3A_234 : vector<16xi32>
    %swap3A_236 = arith.constant 3 : i32
    %swap3A_237 = arith.index_cast %swap3A_236 : i32 to index
    %swap3A_238 = arith.constant 32 : index
    %swap3A_239 = tpu.vector_load %arg6[%swap3A_237, %swap3A_238] {strides = array<i32>} : memref<4x128xi32, #tpu.memory_space<vmem>>, vector<1x16xi32>,
    %swap3A_240 = vector.shape_cast %swap3A_239 : vector<1x16xi32> to vector<16xi32>
    %swap3A_241 = vector.shape_cast %add3A_235 : vector<16xi32> to vector<1x16xi32>
    tpu.vector_store %arg6[%swap3A_237, %swap3A_238], %swap3A_241 {strides = array<i32>} : memref<4x128xi32, #tpu.memory_space<vmem>>, vector<1x16xi32>,
    %get3A_242 = arith.constant 176 : index
    %get3A_243 = tpu.vector_load %arg5[%get3A_242] {strides = array<i32>} : memref<256xi32, #tpu.memory_space<vmem>>, vector<16xi32>,
    %get3A_244 = vector.shape_cast %get3A_243 : vector<16xi32> to vector<16xi32>
    %add3A_245 = vector.broadcast %mul3A_178 : i32 to vector<16xi32>
    %add3A_246 = arith.addi %get3A_244, %add3A_245 : vector<16xi32>
    %swap3A_247 = arith.constant 1 : i32
    %swap3A_248 = arith.index_cast %swap3A_247 : i32 to index
    %swap3A_249 = arith.constant 48 : index
    %swap3A_250 = tpu.vector_load %arg6[%swap3A_248, %swap3A_249] {strides = array<i32>} : memref<4x128xi32, #tpu.memory_space<vmem>>, vector<1x16xi32>,
    %swap3A_251 = vector.shape_cast %swap3A_250 : vector<1x16xi32> to vector<16xi32>
    %swap3A_252 = vector.shape_cast %add3A_246 : vector<16xi32> to vector<1x16xi32>
    tpu.vector_store %arg6[%swap3A_248, %swap3A_249], %swap3A_252 {strides = array<i32>} : memref<4x128xi32, #tpu.memory_space<vmem>>, vector<1x16xi32>,
    %add3A_253 = arith.constant 16384 : i32
    %add3A_254 = arith.addi %mul3A_178, %add3A_253 : i32
    %add3A_255 = vector.broadcast %add3A_254 : i32 to vector<16xi32>
    %add3A_256 = arith.addi %get3A_244, %add3A_255 : vector<16xi32>
    %swap3A_257 = arith.constant 3 : i32
    %swap3A_258 = arith.index_cast %swap3A_257 : i32 to index
    %swap3A_259 = arith.constant 48 : index
    %swap3A_260 = tpu.vector_load %arg6[%swap3A_258, %swap3A_259] {strides = array<i32>} : memref<4x128xi32, #tpu.memory_space<vmem>>, vector<1x16xi32>,
    %swap3A_261 = vector.shape_cast %swap3A_260 : vector<1x16xi32> to vector<16xi32>
    %swap3A_262 = vector.shape_cast %add3A_256 : vector<16xi32> to vector<1x16xi32>
    tpu.vector_store %arg6[%swap3A_258, %swap3A_259], %swap3A_262 {strides = array<i32>} : memref<4x128xi32, #tpu.memory_space<vmem>>, vector<1x16xi32>,
    %get3A_263 = arith.constant 192 : index
    %get3A_264 = tpu.vector_load %arg5[%get3A_263] {strides = array<i32>} : memref<256xi32, #tpu.memory_space<vmem>>, vector<16xi32>,
    %get3A_265 = vector.shape_cast %get3A_264 : vector<16xi32> to vector<16xi32>
    %add3A_266 = vector.broadcast %mul3A_178 : i32 to vector<16xi32>
    %add3A_267 = arith.addi %get3A_265, %add3A_266 : vector<16xi32>
    %swap3A_268 = arith.constant 1 : i32
    %swap3A_269 = arith.index_cast %swap3A_268 : i32 to index
    %swap3A_270 = arith.constant 64 : index
    %swap3A_271 = tpu.vector_load %arg6[%swap3A_269, %swap3A_270] {strides = array<i32>} : memref<4x128xi32, #tpu.memory_space<vmem>>, vector<1x16xi32>,
    %swap3A_272 = vector.shape_cast %swap3A_271 : vector<1x16xi32> to vector<16xi32>
    %swap3A_273 = vector.shape_cast %add3A_267 : vector<16xi32> to vector<1x16xi32>
    tpu.vector_store %arg6[%swap3A_269, %swap3A_270], %swap3A_273 {strides = array<i32>} : memref<4x128xi32, #tpu.memory_space<vmem>>, vector<1x16xi32>,
    %add3A_274 = arith.constant 16384 : i32
    %add3A_275 = arith.addi %mul3A_178, %add3A_274 : i32
    %add3A_276 = vector.broadcast %add3A_275 : i32 to vector<16xi32>
    %add3A_277 = arith.addi %get3A_265, %add3A_276 : vector<16xi32>
    %swap3A_278 = arith.constant 3 : i32
    %swap3A_279 = arith.index_cast %swap3A_278 : i32 to index
    %swap3A_280 = arith.constant 64 : index
    %swap3A_281 = tpu.vector_load %arg6[%swap3A_279, %swap3A_280] {strides = array<i32>} : memref<4x128xi32, #tpu.memory_space<vmem>>, vector<1x16xi32>,
    %swap3A_282 = vector.shape_cast %swap3A_281 : vector<1x16xi32> to vector<16xi32>
    %swap3A_283 = vector.shape_cast %add3A_277 : vector<16xi32> to vector<1x16xi32>
    tpu.vector_store %arg6[%swap3A_279, %swap3A_280], %swap3A_283 {strides = array<i32>} : memref<4x128xi32, #tpu.memory_space<vmem>>, vector<1x16xi32>,
    %get3A_284 = arith.constant 208 : index
    %get3A_285 = tpu.vector_load %arg5[%get3A_284] {strides = array<i32>} : memref<256xi32, #tpu.memory_space<vmem>>, vector<16xi32>,
    %get3A_286 = vector.shape_cast %get3A_285 : vector<16xi32> to vector<16xi32>
    %add3A_287 = vector.broadcast %mul3A_178 : i32 to vector<16xi32>
    %add3A_288 = arith.addi %get3A_286, %add3A_287 : vector<16xi32>
    %swap3A_289 = arith.constant 1 : i32
    %swap3A_290 = arith.index_cast %swap3A_289 : i32 to index
    %swap3A_291 = arith.constant 80 : index
    %swap3A_292 = tpu.vector_load %arg6[%swap3A_290, %swap3A_291] {strides = array<i32>} : memref<4x128xi32, #tpu.memory_space<vmem>>, vector<1x16xi32>,
    %swap3A_293 = vector.shape_cast %swap3A_292 : vector<1x16xi32> to vector<16xi32>
    %swap3A_294 = vector.shape_cast %add3A_288 : vector<16xi32> to vector<1x16xi32>
    tpu.vector_store %arg6[%swap3A_290, %swap3A_291], %swap3A_294 {strides = array<i32>} : memref<4x128xi32, #tpu.memory_space<vmem>>, vector<1x16xi32>,
    %add3A_295 = arith.constant 16384 : i32
    %add3A_296 = arith.addi %mul3A_178, %add3A_295 : i32
    %add3A_297 = vector.broadcast %add3A_296 : i32 to vector<16xi32>
    %add3A_298 = arith.addi %get3A_286, %add3A_297 : vector<16xi32>
    %swap3A_299 = arith.constant 3 : i32
    %swap3A_300 = arith.index_cast %swap3A_299 : i32 to index
    %swap3A_301 = arith.constant 80 : index
    %swap3A_302 = tpu.vector_load %arg6[%swap3A_300, %swap3A_301] {strides = array<i32>} : memref<4x128xi32, #tpu.memory_space<vmem>>, vector<1x16xi32>,
    %swap3A_303 = vector.shape_cast %swap3A_302 : vector<1x16xi32> to vector<16xi32>
    %swap3A_304 = vector.shape_cast %add3A_298 : vector<16xi32> to vector<1x16xi32>
    tpu.vector_store %arg6[%swap3A_300, %swap3A_301], %swap3A_304 {strides = array<i32>} : memref<4x128xi32, #tpu.memory_space<vmem>>, vector<1x16xi32>,
    %get3A_305 = arith.constant 224 : index
    %get3A_306 = tpu.vector_load %arg5[%get3A_305] {strides = array<i32>} : memref<256xi32, #tpu.memory_space<vmem>>, vector<16xi32>,
    %get3A_307 = vector.shape_cast %get3A_306 : vector<16xi32> to vector<16xi32>
    %add3A_308 = vector.broadcast %mul3A_178 : i32 to vector<16xi32>
    %add3A_309 = arith.addi %get3A_307, %add3A_308 : vector<16xi32>
    %swap3A_310 = arith.constant 1 : i32
    %swap3A_311 = arith.index_cast %swap3A_310 : i32 to index
    %swap3A_312 = arith.constant 96 : index
    %swap3A_313 = tpu.vector_load %arg6[%swap3A_311, %swap3A_312] {strides = array<i32>} : memref<4x128xi32, #tpu.memory_space<vmem>>, vector<1x16xi32>,
    %swap3A_314 = vector.shape_cast %swap3A_313 : vector<1x16xi32> to vector<16xi32>
    %swap3A_315 = vector.shape_cast %add3A_309 : vector<16xi32> to vector<1x16xi32>
    tpu.vector_store %arg6[%swap3A_311, %swap3A_312], %swap3A_315 {strides = array<i32>} : memref<4x128xi32, #tpu.memory_space<vmem>>, vector<1x16xi32>,
    %add3A_316 = arith.constant 16384 : i32
    %add3A_317 = arith.addi %mul3A_178, %add3A_316 : i32
    %add3A_318 = vector.broadcast %add3A_317 : i32 to vector<16xi32>
    %add3A_319 = arith.addi %get3A_307, %add3A_318 : vector<16xi32>
    %swap3A_320 = arith.constant 3 : i32
    %swap3A_321 = arith.index_cast %swap3A_320 : i32 to index
    %swap3A_322 = arith.constant 96 : index
    %swap3A_323 = tpu.vector_load %arg6[%swap3A_321, %swap3A_322] {strides = array<i32>} : memref<4x128xi32, #tpu.memory_space<vmem>>, vector<1x16xi32>,
    %swap3A_324 = vector.shape_cast %swap3A_323 : vector<1x16xi32> to vector<16xi32>
    %swap3A_325 = vector.shape_cast %add3A_319 : vector<16xi32> to vector<1x16xi32>
    tpu.vector_store %arg6[%swap3A_321, %swap3A_322], %swap3A_325 {strides = array<i32>} : memref<4x128xi32, #tpu.memory_space<vmem>>, vector<1x16xi32>,
    %get3A_326 = arith.constant 240 : index
    %get3A_327 = tpu.vector_load %arg5[%get3A_326] {strides = array<i32>} : memref<256xi32, #tpu.memory_space<vmem>>, vector<16xi32>,
    %get3A_328 = vector.shape_cast %get3A_327 : vector<16xi32> to vector<16xi32>
    %add3A_329 = vector.broadcast %mul3A_178 : i32 to vector<16xi32>
    %add3A_330 = arith.addi %get3A_328, %add3A_329 : vector<16xi32>
    %swap3A_331 = arith.constant 1 : i32
    %swap3A_332 = arith.index_cast %swap3A_331 : i32 to index
    %swap3A_333 = arith.constant 112 : index
    %swap3A_334 = tpu.vector_load %arg6[%swap3A_332, %swap3A_333] {strides = array<i32>} : memref<4x128xi32, #tpu.memory_space<vmem>>, vector<1x16xi32>,
    %swap3A_335 = vector.shape_cast %swap3A_334 : vector<1x16xi32> to vector<16xi32>
    %swap3A_336 = vector.shape_cast %add3A_330 : vector<16xi32> to vector<1x16xi32>
    tpu.vector_store %arg6[%swap3A_332, %swap3A_333], %swap3A_336 {strides = array<i32>} : memref<4x128xi32, #tpu.memory_space<vmem>>, vector<1x16xi32>,
    %add3A_337 = arith.constant 16384 : i32
    %add3A_338 = arith.addi %mul3A_178, %add3A_337 : i32
    %add3A_339 = vector.broadcast %add3A_338 : i32 to vector<16xi32>
    %add3A_340 = arith.addi %get3A_328, %add3A_339 : vector<16xi32>
    %swap3A_341 = arith.constant 3 : i32
    %swap3A_342 = arith.index_cast %swap3A_341 : i32 to index
    %swap3A_343 = arith.constant 112 : index
    %swap3A_344 = tpu.vector_load %arg6[%swap3A_342, %swap3A_343] {strides = array<i32>} : memref<4x128xi32, #tpu.memory_space<vmem>>, vector<1x16xi32>,
    %swap3A_345 = vector.shape_cast %swap3A_344 : vector<1x16xi32> to vector<16xi32>
    %swap3A_346 = vector.shape_cast %add3A_340 : vector<16xi32> to vector<1x16xi32>
    tpu.vector_store %arg6[%swap3A_342, %swap3A_343], %swap3A_346 {strides = array<i32>} : memref<4x128xi32, #tpu.memory_space<vmem>>, vector<1x16xi32>,
    %dma_start3A = arith.constant 0 : i32
    %dma_start3A_347 = arith.constant 0 : i32
    %dma_start3A_348 = arith.constant 0 : i32
    %dma_start3A_349 = tpu.memref_slice %arg7[%dma_start3A_347, %dma_start3A_348] : memref<4x128xf32, #tpu.memory_space<vmem>> -> memref<1x128xf32, #tpu.memory_space<vmem>>
    %dma_start3A_350 = tpu.memref_squeeze %dma_start3A_349 : memref<1x128xf32, #tpu.memory_space<vmem>> -> memref<128xf32, #tpu.memory_space<vmem>>
    %dma_start3A_351 = arith.constant 0 : i32
    %dma_start3A_352 = tpu.memref_slice %arg6[%dma_start3A, %dma_start3A_351] : memref<4x128xi32, #tpu.memory_space<vmem>> -> memref<1x128xi32, #tpu.memory_space<vmem>>
    %dma_start3A_353 = tpu.memref_squeeze %dma_start3A_352 : memref<1x128xi32, #tpu.memory_space<vmem>> -> memref<128xi32, #tpu.memory_space<vmem>>
    %dma_start3A_354 = arith.constant 0 : i32
    %dma_start3A_355 = tpu.memref_slice %arg2[%dma_start3A_354] : memref<2097152xf32, #tpu.memory_space<hbm>> -> memref<2097152xf32, #tpu.memory_space<hbm>>
    tpu.enqueue_indirect_dma source(%dma_start3A_355 : memref<2097152xf32, #tpu.memory_space<hbm>>) target(%dma_start3A_350 : memref<128xf32, #tpu.memory_space<vmem>>) offsets(%dma_start3A_353 : memref<128xi32, #tpu.memory_space<vmem>>) semaphore(%arg8 : memref<!tpu.dma_semaphore, #tpu.memory_space<semaphore_mem>>)
    %dma_start3A_356 = arith.constant 1 : i32
    %dma_start3A_357 = arith.constant 1 : i32
    %dma_start3A_358 = arith.constant 0 : i32
    %dma_start3A_359 = tpu.memref_slice %arg7[%dma_start3A_357, %dma_start3A_358] : memref<4x128xf32, #tpu.memory_space<vmem>> -> memref<1x128xf32, #tpu.memory_space<vmem>>
    %dma_start3A_360 = tpu.memref_squeeze %dma_start3A_359 : memref<1x128xf32, #tpu.memory_space<vmem>> -> memref<128xf32, #tpu.memory_space<vmem>>
    %dma_start3A_361 = arith.constant 0 : i32
    %dma_start3A_362 = tpu.memref_slice %arg6[%dma_start3A_356, %dma_start3A_361] : memref<4x128xi32, #tpu.memory_space<vmem>> -> memref<1x128xi32, #tpu.memory_space<vmem>>
    %dma_start3A_363 = tpu.memref_squeeze %dma_start3A_362 : memref<1x128xi32, #tpu.memory_space<vmem>> -> memref<128xi32, #tpu.memory_space<vmem>>
    %dma_start3A_364 = arith.constant 0 : i32
    %dma_start3A_365 = tpu.memref_slice %arg2[%dma_start3A_364] : memref<2097152xf32, #tpu.memory_space<hbm>> -> memref<2097152xf32, #tpu.memory_space<hbm>>
    tpu.enqueue_indirect_dma source(%dma_start3A_365 : memref<2097152xf32, #tpu.memory_space<hbm>>) target(%dma_start3A_360 : memref<128xf32, #tpu.memory_space<vmem>>) offsets(%dma_start3A_363 : memref<128xi32, #tpu.memory_space<vmem>>) semaphore(%arg8 : memref<!tpu.dma_semaphore, #tpu.memory_space<semaphore_mem>>)
    %dma_start3A_366 = arith.constant 2 : i32
    %dma_start3A_367 = arith.constant 2 : i32
    %dma_start3A_368 = arith.constant 0 : i32
    %dma_start3A_369 = tpu.memref_slice %arg7[%dma_start3A_367, %dma_start3A_368] : memref<4x128xf32, #tpu.memory_space<vmem>> -> memref<1x128xf32, #tpu.memory_space<vmem>>
    %dma_start3A_370 = tpu.memref_squeeze %dma_start3A_369 : memref<1x128xf32, #tpu.memory_space<vmem>> -> memref<128xf32, #tpu.memory_space<vmem>>
    %dma_start3A_371 = arith.constant 0 : i32
    %dma_start3A_372 = tpu.memref_slice %arg6[%dma_start3A_366, %dma_start3A_371] : memref<4x128xi32, #tpu.memory_space<vmem>> -> memref<1x128xi32, #tpu.memory_space<vmem>>
    %dma_start3A_373 = tpu.memref_squeeze %dma_start3A_372 : memref<1x128xi32, #tpu.memory_space<vmem>> -> memref<128xi32, #tpu.memory_space<vmem>>
    %dma_start3A_374 = arith.constant 0 : i32
    %dma_start3A_375 = tpu.memref_slice %arg2[%dma_start3A_374] : memref<2097152xf32, #tpu.memory_space<hbm>> -> memref<2097152xf32, #tpu.memory_space<hbm>>
    tpu.enqueue_indirect_dma source(%dma_start3A_375 : memref<2097152xf32, #tpu.memory_space<hbm>>) target(%dma_start3A_370 : memref<128xf32, #tpu.memory_space<vmem>>) offsets(%dma_start3A_373 : memref<128xi32, #tpu.memory_space<vmem>>) semaphore(%arg8 : memref<!tpu.dma_semaphore, #tpu.memory_space<semaphore_mem>>)
    %dma_start3A_376 = arith.constant 3 : i32
    %dma_start3A_377 = arith.constant 3 : i32
    %dma_start3A_378 = arith.constant 0 : i32
    %dma_start3A_379 = tpu.memref_slice %arg7[%dma_start3A_377, %dma_start3A_378] : memref<4x128xf32, #tpu.memory_space<vmem>> -> memref<1x128xf32, #tpu.memory_space<vmem>>
    %dma_start3A_380 = tpu.memref_squeeze %dma_start3A_379 : memref<1x128xf32, #tpu.memory_space<vmem>> -> memref<128xf32, #tpu.memory_space<vmem>>
    %dma_start3A_381 = arith.constant 0 : i32
    %dma_start3A_382 = tpu.memref_slice %arg6[%dma_start3A_376, %dma_start3A_381] : memref<4x128xi32, #tpu.memory_space<vmem>> -> memref<1x128xi32, #tpu.memory_space<vmem>>
    %dma_start3A_383 = tpu.memref_squeeze %dma_start3A_382 : memref<1x128xi32, #tpu.memory_space<vmem>> -> memref<128xi32, #tpu.memory_space<vmem>>
    %dma_start3A_384 = arith.constant 0 : i32
    %dma_start3A_385 = tpu.memref_slice %arg2[%dma_start3A_384] : memref<2097152xf32, #tpu.memory_space<hbm>> -> memref<2097152xf32, #tpu.memory_space<hbm>>
    tpu.enqueue_indirect_dma source(%dma_start3A_385 : memref<2097152xf32, #tpu.memory_space<hbm>>) target(%dma_start3A_380 : memref<128xf32, #tpu.memory_space<vmem>>) offsets(%dma_start3A_383 : memref<128xi32, #tpu.memory_space<vmem>>) semaphore(%arg8 : memref<!tpu.dma_semaphore, #tpu.memory_space<semaphore_mem>>)
    %dma_wait3A = arith.constant 0 : i32
    %dma_wait3A_386 = arith.constant 0 : i32
    %dma_wait3A_387 = arith.constant 0 : i32
    %dma_wait3A_388 = tpu.memref_slice %arg7[%dma_wait3A_386, %dma_wait3A_387] : memref<4x128xf32, #tpu.memory_space<vmem>> -> memref<1x128xf32, #tpu.memory_space<vmem>>
    %dma_wait3A_389 = tpu.memref_squeeze %dma_wait3A_388 : memref<1x128xf32, #tpu.memory_space<vmem>> -> memref<128xf32, #tpu.memory_space<vmem>>
    %dma_wait3A_390 = arith.constant 0 : i32
    %dma_wait3A_391 = tpu.memref_slice %arg6[%dma_wait3A, %dma_wait3A_390] : memref<4x128xi32, #tpu.memory_space<vmem>> -> memref<1x128xi32, #tpu.memory_space<vmem>>
    %dma_wait3A_392 = tpu.memref_squeeze %dma_wait3A_391 : memref<1x128xi32, #tpu.memory_space<vmem>> -> memref<128xi32, #tpu.memory_space<vmem>>
    %dma_wait3A_393 = arith.constant 0 : i32
    %dma_wait3A_394 = tpu.memref_slice %arg2[%dma_wait3A_393] : memref<2097152xf32, #tpu.memory_space<hbm>> -> memref<2097152xf32, #tpu.memory_space<hbm>>
    tpu.wait_indirect_dma semaphore(%arg8 : memref<!tpu.dma_semaphore, #tpu.memory_space<semaphore_mem>>) src(%dma_wait3A_394 : memref<2097152xf32, #tpu.memory_space<hbm>>) dst(%dma_wait3A_389 : memref<128xf32, #tpu.memory_space<vmem>>)
    %dma_wait3A_395 = arith.constant 1 : i32
    %dma_wait3A_396 = arith.constant 1 : i32
    %dma_wait3A_397 = arith.constant 0 : i32
    %dma_wait3A_398 = tpu.memref_slice %arg7[%dma_wait3A_396, %dma_wait3A_397] : memref<4x128xf32, #tpu.memory_space<vmem>> -> memref<1x128xf32, #tpu.memory_space<vmem>>
    %dma_wait3A_399 = tpu.memref_squeeze %dma_wait3A_398 : memref<1x128xf32, #tpu.memory_space<vmem>> -> memref<128xf32, #tpu.memory_space<vmem>>
    %dma_wait3A_400 = arith.constant 0 : i32
    %dma_wait3A_401 = tpu.memref_slice %arg6[%dma_wait3A_395, %dma_wait3A_400] : memref<4x128xi32, #tpu.memory_space<vmem>> -> memref<1x128xi32, #tpu.memory_space<vmem>>
    %dma_wait3A_402 = tpu.memref_squeeze %dma_wait3A_401 : memref<1x128xi32, #tpu.memory_space<vmem>> -> memref<128xi32, #tpu.memory_space<vmem>>
    %dma_wait3A_403 = arith.constant 0 : i32
    %dma_wait3A_404 = tpu.memref_slice %arg2[%dma_wait3A_403] : memref<2097152xf32, #tpu.memory_space<hbm>> -> memref<2097152xf32, #tpu.memory_space<hbm>>
    tpu.wait_indirect_dma semaphore(%arg8 : memref<!tpu.dma_semaphore, #tpu.memory_space<semaphore_mem>>) src(%dma_wait3A_404 : memref<2097152xf32, #tpu.memory_space<hbm>>) dst(%dma_wait3A_399 : memref<128xf32, #tpu.memory_space<vmem>>)
    %dma_wait3A_405 = arith.constant 2 : i32
    %dma_wait3A_406 = arith.constant 2 : i32
    %dma_wait3A_407 = arith.constant 0 : i32
    %dma_wait3A_408 = tpu.memref_slice %arg7[%dma_wait3A_406, %dma_wait3A_407] : memref<4x128xf32, #tpu.memory_space<vmem>> -> memref<1x128xf32, #tpu.memory_space<vmem>>
    %dma_wait3A_409 = tpu.memref_squeeze %dma_wait3A_408 : memref<1x128xf32, #tpu.memory_space<vmem>> -> memref<128xf32, #tpu.memory_space<vmem>>
    %dma_wait3A_410 = arith.constant 0 : i32
    %dma_wait3A_411 = tpu.memref_slice %arg6[%dma_wait3A_405, %dma_wait3A_410] : memref<4x128xi32, #tpu.memory_space<vmem>> -> memref<1x128xi32, #tpu.memory_space<vmem>>
    %dma_wait3A_412 = tpu.memref_squeeze %dma_wait3A_411 : memref<1x128xi32, #tpu.memory_space<vmem>> -> memref<128xi32, #tpu.memory_space<vmem>>
    %dma_wait3A_413 = arith.constant 0 : i32
    %dma_wait3A_414 = tpu.memref_slice %arg2[%dma_wait3A_413] : memref<2097152xf32, #tpu.memory_space<hbm>> -> memref<2097152xf32, #tpu.memory_space<hbm>>
    tpu.wait_indirect_dma semaphore(%arg8 : memref<!tpu.dma_semaphore, #tpu.memory_space<semaphore_mem>>) src(%dma_wait3A_414 : memref<2097152xf32, #tpu.memory_space<hbm>>) dst(%dma_wait3A_409 : memref<128xf32, #tpu.memory_space<vmem>>)
    %dma_wait3A_415 = arith.constant 3 : i32
    %dma_wait3A_416 = arith.constant 3 : i32
    %dma_wait3A_417 = arith.constant 0 : i32
    %dma_wait3A_418 = tpu.memref_slice %arg7[%dma_wait3A_416, %dma_wait3A_417] : memref<4x128xf32, #tpu.memory_space<vmem>> -> memref<1x128xf32, #tpu.memory_space<vmem>>
    %dma_wait3A_419 = tpu.memref_squeeze %dma_wait3A_418 : memref<1x128xf32, #tpu.memory_space<vmem>> -> memref<128xf32, #tpu.memory_space<vmem>>
    %dma_wait3A_420 = arith.constant 0 : i32
    %dma_wait3A_421 = tpu.memref_slice %arg6[%dma_wait3A_415, %dma_wait3A_420] : memref<4x128xi32, #tpu.memory_space<vmem>> -> memref<1x128xi32, #tpu.memory_space<vmem>>
    %dma_wait3A_422 = tpu.memref_squeeze %dma_wait3A_421 : memref<1x128xi32, #tpu.memory_space<vmem>> -> memref<128xi32, #tpu.memory_space<vmem>>
    %dma_wait3A_423 = arith.constant 0 : i32
    %dma_wait3A_424 = tpu.memref_slice %arg2[%dma_wait3A_423] : memref<2097152xf32, #tpu.memory_space<hbm>> -> memref<2097152xf32, #tpu.memory_space<hbm>>
    tpu.wait_indirect_dma semaphore(%arg8 : memref<!tpu.dma_semaphore, #tpu.memory_space<semaphore_mem>>) src(%dma_wait3A_424 : memref<2097152xf32, #tpu.memory_space<hbm>>) dst(%dma_wait3A_419 : memref<128xf32, #tpu.memory_space<vmem>>)
    %mul3A_425 = arith.constant 2 : i32
    %mul3A_426 = arith.muli %mul3A_425, %add3A : i32
    %dma_start3A_427 = arith.constant 0 : i32
    %dma_start3A_428 = arith.constant 0 : i32
    %dma_start3A_429 = tpu.memref_slice %arg7[%dma_start3A_427, %dma_start3A_428] : memref<4x128xf32, #tpu.memory_space<vmem>> -> memref<2x128xf32, #tpu.memory_space<vmem>>
    %dma_start3A_430 = arith.constant 0 : i32
    %dma_start3A_431 = tpu.memref_slice %arg4[%mul3A_426, %dma_start3A_430] : memref<128x128xf32, #tpu.memory_space<hbm>> -> memref<2x128xf32, #tpu.memory_space<hbm>>
    %dma_start3A_432 = arith.constant 0 : i32
    %dma_start3A_433 = tpu.memref_slice %arg4[%mul3A_426, %dma_start3A_432] : memref<128x128xf32, #tpu.memory_space<hbm>> -> memref<2x128xf32, #tpu.memory_space<hbm>>
    %dma_start3A_434 = arith.constant 0 : i32
    %dma_start3A_435 = arith.constant 0 : i32
    %dma_start3A_436 = tpu.memref_slice %arg7[%dma_start3A_434, %dma_start3A_435] : memref<4x128xf32, #tpu.memory_space<vmem>> -> memref<2x128xf32, #tpu.memory_space<vmem>>
    tpu.enqueue_dma source(%dma_start3A_436 : memref<2x128xf32, #tpu.memory_space<vmem>>) target(%dma_start3A_433 : memref<2x128xf32, #tpu.memory_space<hbm>>) target_semaphore(%arg9 : memref<!tpu.dma_semaphore, #tpu.memory_space<semaphore_mem>>)
    %mul3A_437 = arith.constant 2 : i32
    %mul3A_438 = arith.muli %mul3A_437, %add3A : i32
    %add3A_439 = arith.constant 64 : i32
    %add3A_440 = arith.addi %add3A_439, %mul3A_438 : i32
    %dma_start3A_441 = arith.constant 2 : i32
    %dma_start3A_442 = arith.constant 0 : i32
    %dma_start3A_443 = tpu.memref_slice %arg7[%dma_start3A_441, %dma_start3A_442] : memref<4x128xf32, #tpu.memory_space<vmem>> -> memref<2x128xf32, #tpu.memory_space<vmem>>
    %dma_start3A_444 = arith.constant 0 : i32
    %dma_start3A_445 = tpu.memref_slice %arg4[%add3A_440, %dma_start3A_444] : memref<128x128xf32, #tpu.memory_space<hbm>> -> memref<2x128xf32, #tpu.memory_space<hbm>>
    %dma_start3A_446 = arith.constant 0 : i32
    %dma_start3A_447 = tpu.memref_slice %arg4[%add3A_440, %dma_start3A_446] : memref<128x128xf32, #tpu.memory_space<hbm>> -> memref<2x128xf32, #tpu.memory_space<hbm>>
    %dma_start3A_448 = arith.constant 2 : i32
    %dma_start3A_449 = arith.constant 0 : i32
    %dma_start3A_450 = tpu.memref_slice %arg7[%dma_start3A_448, %dma_start3A_449] : memref<4x128xf32, #tpu.memory_space<vmem>> -> memref<2x128xf32, #tpu.memory_space<vmem>>
    tpu.enqueue_dma source(%dma_start3A_450 : memref<2x128xf32, #tpu.memory_space<vmem>>) target(%dma_start3A_447 : memref<2x128xf32, #tpu.memory_space<hbm>>) target_semaphore(%arg9 : memref<!tpu.dma_semaphore, #tpu.memory_space<semaphore_mem>>)
    %dma_wait3A_451 = arith.constant 0 : i32
    %dma_wait3A_452 = arith.constant 0 : i32
    %dma_wait3A_453 = tpu.memref_slice %arg7[%dma_wait3A_451, %dma_wait3A_452] : memref<4x128xf32, #tpu.memory_space<vmem>> -> memref<2x128xf32, #tpu.memory_space<vmem>>
    %dma_wait3A_454 = arith.constant 0 : i32
    %dma_wait3A_455 = tpu.memref_slice %arg4[%mul3A_426, %dma_wait3A_454] : memref<128x128xf32, #tpu.memory_space<hbm>> -> memref<2x128xf32, #tpu.memory_space<hbm>>
    %dma_wait3A_456 = arith.constant 0 : i32
    %dma_wait3A_457 = tpu.memref_slice %arg4[%mul3A_426, %dma_wait3A_456] : memref<128x128xf32, #tpu.memory_space<hbm>> -> memref<2x128xf32, #tpu.memory_space<hbm>>
    %dma_wait3A_458 = arith.constant 0 : i32
    %dma_wait3A_459 = arith.constant 0 : i32
    %dma_wait3A_460 = tpu.memref_slice %arg7[%dma_wait3A_458, %dma_wait3A_459] : memref<4x128xf32, #tpu.memory_space<vmem>> -> memref<2x128xf32, #tpu.memory_space<vmem>>
    tpu.wait_dma2 semaphore(%arg9 : memref<!tpu.dma_semaphore, #tpu.memory_space<semaphore_mem>>) src(%dma_wait3A_460 : memref<2x128xf32, #tpu.memory_space<vmem>>) dst(%dma_wait3A_457 : memref<2x128xf32, #tpu.memory_space<hbm>>)
    %dma_wait3A_461 = arith.constant 2 : i32
    %dma_wait3A_462 = arith.constant 0 : i32
    %dma_wait3A_463 = tpu.memref_slice %arg7[%dma_wait3A_461, %dma_wait3A_462] : memref<4x128xf32, #tpu.memory_space<vmem>> -> memref<2x128xf32, #tpu.memory_space<vmem>>
    %dma_wait3A_464 = arith.constant 0 : i32
    %dma_wait3A_465 = tpu.memref_slice %arg4[%add3A_440, %dma_wait3A_464] : memref<128x128xf32, #tpu.memory_space<hbm>> -> memref<2x128xf32, #tpu.memory_space<hbm>>
    %dma_wait3A_466 = arith.constant 0 : i32
    %dma_wait3A_467 = tpu.memref_slice %arg4[%add3A_440, %dma_wait3A_466] : memref<128x128xf32, #tpu.memory_space<hbm>> -> memref<2x128xf32, #tpu.memory_space<hbm>>
    %dma_wait3A_468 = arith.constant 2 : i32
    %dma_wait3A_469 = arith.constant 0 : i32
    %dma_wait3A_470 = tpu.memref_slice %arg7[%dma_wait3A_468, %dma_wait3A_469] : memref<4x128xf32, #tpu.memory_space<vmem>> -> memref<2x128xf32, #tpu.memory_space<vmem>>
    tpu.wait_dma2 semaphore(%arg9 : memref<!tpu.dma_semaphore, #tpu.memory_space<semaphore_mem>>) src(%dma_wait3A_470 : memref<2x128xf32, #tpu.memory_space<vmem>>) dst(%dma_wait3A_467 : memref<2x128xf32, #tpu.memory_space<hbm>>)
    return
  }
}

module attributes {stable_mosaic.version = 14 : i64} {
  func.func @k(%arg0: memref<2x64x128xf32, #tpu.memory_space<vmem>>, %arg1: memref<2x64x128xf32, #tpu.memory_space<vmem>>, %arg2: memref<64x128xf32, #tpu.memory_space<vmem>>, %arg3: memref<1x1xf32, #tpu.memory_space<vmem>>) attributes {dimension_semantics = [], scalar_prefetch = 0 : i64, scratch_operands = 0 : i64, tpu.core_type = #tpu.core_type<tc>} {
    %get3A = arith.constant 0 : index
    %get3A_0 = arith.constant 0 : index
    %get3A_1 = arith.constant 0 : index
    %get3A_2 = vector.load %arg0[%get3A, %get3A_0, %get3A_1] : memref<2x64x128xf32, #tpu.memory_space<vmem>>, vector<2x64x128xf32>
    %get3A_3 = arith.constant 0 : index
    %get3A_4 = arith.constant 0 : index
    %get3A_5 = arith.constant 0 : index
    %get3A_6 = vector.load %arg1[%get3A_3, %get3A_4, %get3A_5] : memref<2x64x128xf32, #tpu.memory_space<vmem>>, vector<2x64x128xf32>
    %get3A_7 = arith.constant 0 : index
    %get3A_8 = arith.constant 0 : index
    %get3A_9 = vector.load %arg2[%get3A_7, %get3A_8] : memref<64x128xf32, #tpu.memory_space<vmem>>, vector<64x128xf32>
    %broadcast_in_dim3A = vector.shape_cast %get3A_9 : vector<64x128xf32> to vector<1x64x128xf32>
    %mul3A = vector.broadcast %broadcast_in_dim3A : vector<1x64x128xf32> to vector<2x64x128xf32>
    %mul3A_10 = arith.mulf %get3A_2, %mul3A : vector<2x64x128xf32>
    %broadcast_in_dim3A_11 = vector.shape_cast %get3A_9 : vector<64x128xf32> to vector<1x64x128xf32>
    %mul3A_12 = vector.broadcast %broadcast_in_dim3A_11 : vector<1x64x128xf32> to vector<2x64x128xf32>
    %mul3A_13 = arith.mulf %get3A_6, %mul3A_12 : vector<2x64x128xf32>
    %sub3A = arith.subf %mul3A_10, %mul3A_13 : vector<2x64x128xf32>
    %abs3A = math.absf %sub3A : vector<2x64x128xf32>
    %reduce_sum3A = vector.shape_cast %abs3A : vector<2x64x128xf32> to vector<1x2x64x128xf32>
    %reduce_sum3A_14 = arith.constant dense<0.000000e+00> : vector<1xf32>
    %reduce_sum3A_15 = vector.multi_reduction <add>, %reduce_sum3A, %reduce_sum3A_14 [1, 2, 3] : vector<1x2x64x128xf32> to vector<1xf32>
    %reduce_sum3A_16 = vector.shape_cast %reduce_sum3A_15 : vector<1xf32> to vector<1x1x1x1xf32>
    %reduce_sum3A_17 = vector.extract %reduce_sum3A_16[0, 0, 0, 0] : f32 from vector<1x1x1x1xf32>
    %broadcast_in_dim3A_18 = vector.broadcast %reduce_sum3A_17 : f32 to vector<1x1x1xf32>
    %reduce_sum3A_19 = vector.shape_cast %get3A_9 : vector<64x128xf32> to vector<1x64x128xf32>
    %reduce_sum3A_20 = arith.constant dense<0.000000e+00> : vector<1xf32>
    %reduce_sum3A_21 = vector.multi_reduction <add>, %reduce_sum3A_19, %reduce_sum3A_20 [1, 2] : vector<1x64x128xf32> to vector<1xf32>
    %reduce_sum3A_22 = vector.shape_cast %reduce_sum3A_21 : vector<1xf32> to vector<1x1x1xf32>
    %reduce_sum3A_23 = vector.extract %reduce_sum3A_22[0, 0, 0] : f32 from vector<1x1x1xf32>
    %broadcast_in_dim3A_24 = vector.broadcast %reduce_sum3A_23 : f32 to vector<1x1xf32>
    %add3A = arith.constant 9.99999974E-5 : f32
    %add3A_25 = vector.broadcast %add3A : f32 to vector<1x1xf32>
    %add3A_26 = arith.addf %broadcast_in_dim3A_24, %add3A_25 : vector<1x1xf32>
    %squeeze3A = vector.shape_cast %broadcast_in_dim3A_18 : vector<1x1x1xf32> to vector<1x1xf32>
    %div3A = arith.divf %squeeze3A, %add3A_26 : vector<1x1xf32>
    %swap3A = arith.constant 0 : index
    %swap3A_27 = arith.constant 0 : index
    %swap3A_28 = vector.load %arg3[%swap3A, %swap3A_27] : memref<1x1xf32, #tpu.memory_space<vmem>>, vector<1x1xf32>
    tpu.vector_store %arg3[%swap3A, %swap3A_27], %div3A {strides = array<i32>} : memref<1x1xf32, #tpu.memory_space<vmem>>, vector<1x1xf32>,
    return
  }
}

</mosaic_0001>

<sc_bundles>
// kernel: kernel.4.cloned.1.call-start
scs
__scs_entry_jumppad:
0x0: {  	(pc) =	sbr.rel $0x88, $3  }
0x1: {  	(tag) =	ssettag $0x0;
	lr =	simm.s32 $0x1  }
0x2: {  	[smem:$0x3F9D] =	sst lr;
	_ =	strace $0xD0000000  }
0x3: {  	_ = 	snop  }
0x4: {  	_ = 	snop  }
0x5: {  	_ = 	snop  }
0x6: {  	_ = 	snop  }
0x7: {  	_ = 	snop  }
__scs_overlays_trampoline_lowered:
0x8: {  	[smem:$0x3FAC] =	sst s0  }
0x9: {  	[smem:$0x3FAD] =	sst s1  }
0xa: {  	[smem:$0x3FAE] =	sst s2  }
0xb: {  	[smem:$0x3FAF] =	sst s3  }
0xc: {  	[smem:$0x3FB0] =	sst s4  }
0xd: {  	[smem:$0x3FB1] =	sst s5  }
0xe: {  	[smem:$0x3FB2] =	sst s6  }
0xf: {  	[smem:$0x3FB3] =	sst s7  }
0x10: {  	[smem:$0x3FB4] =	sst s8  }
0x11: {  	[smem:$0x3FB5] =	sst s9;
	s0 =	simm.s32 @!p0 $0x0  }
0x12: {  	s1 =	sld [smem:$0x3F9B];
	s0 =	simm.s32 @p0 $0x1  }
0x13: {  	[smem:$0x3FB6] =	sst s0;
	s0 =	simm.s32 @!p1 $0x0  }
0x14: {  	s2 =	sld [smem:$0x3F9A];
	s0 =	simm.s32 @p1 $0x1  }
0x15: {  	[smem:$0x3FB7] =	sst s0;
	s0 =	simm.s32 @!p2 $0x0  }
0x16: {  	s3 =	sld [smem:$0x3FDB];
	s0 =	simm.s32 @p2 $0x1  }
0x17: {  	s4 =	simm.s32 $0x1BF5;
	[smem:$0x3FB9] =	sst s0  }
0x18: {  	s0 =	sld [smem:$0x3F9C];
	_ =	swait.ge [sflag:s4], $0x0  }
0x19: {  	s7 =	sld [smem:$0x3F9D]  }
0x1a: {  	s8 =	sadd.s32 $0xFFFFE003, lr  }
0x1b: {  	s9 =	sadd.s32 $0xFFFFFEF7, lr;
	s5 =	simm.s32 $0xFFFFFFFF;
	p2 =	slt.u32 s8, $0xFFFFF086  }
0x1c: {  	p1 =	slt.u32 s9, $0xF7A;
	s5 =	simm.s32 @!p2 $0x0  }
0x1d: {  	s5 =	simm.s32 @p1 $0x1;
	p0 =	seq.s32 s7, s2  }
0x1e: {  	s7 =	smul.u32 @!p0 $0xF7A, s2;
	p2 =	seq.s32 @!p0 s5, $0x0  }
0x1f: {  	s9 =	smul.u32 $0xF7A, s1;
	s8 =	simm.s32 @!p0 $0x1BF5;
	p2 =	por !p2, p0  }
0x20: {  	[sflag:s8] =	ssyncset.s32 @!p0 $0xFFFFF086;
	s6 =	sadd.s32 @!p0 s3, s7;
	s7 =	simm.s32 @!p0 $0x108  }
0x21: {  	s3 =	sadd.s32 s3, s9;
	s6 =	sadd.s32 @!p0 $0x88, s6;
	s7 =	simm.s32 @p2 $0x1082  }
0x22: {  	[simem:s7], [sflag:s8] =	dma.local @!p0 [hbm:s6], $0xF7A  }
0x23: {  	s9 =	sor.u32 $0xD0000000, s2;
	s6 =	simm.s32 $0x108;
	_ =	swait.ge @!p0 [sflag:s8], $0x0  }
0x24: {  	s3 =	sadd.s32 $0x88, s3;
	s6 =	simm.s32 @!p1 $0x1082;
	[sflag:s4] =	ssyncset.s32 $0xFFFFF086  }
0x25: {  	[simem:s6], [sflag:s4] =	dma.local [hbm:s3], $0xF7A  }
0x26: {  	[smem:$0x3F9D] =	sst s1;
	(tag) =	ssettag s2;
	_ =	strace s9  }
0x27: {  	s1 =	sld [smem:$0x3FAD]  }
0x28: {  	s2 =	sld [smem:$0x3FAE]  }
0x29: {  	s4 =	sld [smem:$0x3FB0]  }
0x2a: {  	p0 =	seq.s32 s5, $0x0;
	s5 =	sld [smem:$0x3FB1]  }
0x2b: {  	s6 =	sld [smem:$0x3FB2]  }
0x2c: {  	s7 =	sld [smem:$0x3FB3]  }
0x2d: {  	s3 =	simm.s32 $0x108;
	s8 =	sld [smem:$0x3FB4]  }
0x2e: {  	s3 =	simm.s32 @!p0 $0x1082;
	s9 =	sld [smem:$0x3FB5]  }
0x2f: {  	lr =	sadd.s32 s0, s3;
	s0 =	sld [smem:$0x3FAC]  }
0x30: {  	s3 =	sld [smem:$0x3FAF]  }
0x31: {  	[smem:$0x3FB8] =	sst s10  }
0x32: {  	s10 =	sld [smem:$0x3FB6];
	_ =	sdelay $0x3  }
0x33: {  	p0 =	seq.s32 s10, $0x1;
	s10 =	sld [smem:$0x3FB8];
	_ =	sdelay $0x3  }
0x34: {  	[smem:$0x3FB8] =	sst s10  }
0x35: {  	s10 =	sld [smem:$0x3FB7];
	_ =	sdelay $0x3  }
0x36: {  	p1 =	seq.s32 s10, $0x1;
	s10 =	sld [smem:$0x3FB8];
	_ =	sdelay $0x3  }
0x37: {  	[smem:$0x3FB8] =	sst s10  }
0x38: {  	s10 =	sld [smem:$0x3FB9]  }
0x39: {  	_ = 	snop;
	(pc) =	sbr.ind lr, $3  }
0x3a: {  	_ = 	snop  }
0x3b: {  	_ = 	snop  }
0x3c: {  	p2 =	seq.s32 s10, $0x1;
	s10 =	sld [smem:$0x3FB8]  }
0x3d: {  	_ =	shalt  }
0x3e: {  	_ =	shalt  }
0x3f: {  	_ =	shalt  }
0x40: {  	_ =	shalt  }
0x41: {  	_ =	shalt  }
0x42: {  	_ =	shalt  }
0x43: {  	_ =	shalt  }
0x44: {  	_ =	shalt  }
0x45: {  	_ =	shalt  }
0x46: {  	_ =	shalt  }
0x47: {  	_ =	shalt  }
0x48: {  	_ =	shalt  }
0x49: {  	_ =	shalt  }
0x4a: {  	_ =	shalt  }
0x4b: {  	_ =	shalt  }
0x4c: {  	_ =	shalt  }
0x4d: {  	_ =	shalt  }
0x4e: {  	_ =	shalt  }
0x4f: {  	_ =	shalt  }
0x50: {  	_ =	shalt  }
0x51: {  	_ =	shalt  }
0x52: {  	_ =	shalt  }
0x53: {  	_ =	shalt  }
0x54: {  	_ =	shalt  }
0x55: {  	_ =	shalt  }
0x56: {  	_ =	shalt  }
0x57: {  	_ =	shalt  }
0x58: {  	_ =	shalt  }
0x59: {  	_ =	shalt  }
0x5a: {  	_ =	shalt  }
0x5b: {  	_ =	shalt  }
0x5c: {  	_ =	shalt  }
0x5d: {  	_ =	shalt  }
0x5e: {  	_ =	shalt  }
0x5f: {  	_ =	shalt  }
0x60: {  	_ =	shalt  }
0x61: {  	_ =	shalt  }
0x62: {  	_ =	shalt  }
0x63: {  	_ =	shalt  }
0x64: {  	_ =	shalt  }
0x65: {  	_ =	shalt  }
0x66: {  	_ =	shalt  }
0x67: {  	_ =	shalt  }
0x68: {  	_ =	shalt  }
0x69: {  	_ =	shalt  }
0x6a: {  	_ =	shalt  }
0x6b: {  	_ =	shalt  }
0x6c: {  	_ =	shalt  }
0x6d: {  	_ =	shalt  }
0x6e: {  	_ =	shalt  }
0x6f: {  	_ =	shalt  }
0x70: {  	_ =	shalt  }
0x71: {  	_ =	shalt  }
0x72: {  	_ =	shalt  }
0x73: {  	_ =	shalt  }
0x74: {  	_ =	shalt  }
0x75: {  	_ =	shalt  }
0x76: {  	_ =	shalt  }
0x77: {  	_ =	shalt  }
0x78: {  	_ =	shalt  }
0x79: {  	_ =	shalt  }
0x7a: {  	_ =	shalt  }
0x7b: {  	_ =	shalt  }
0x7c: {  	_ =	shalt  }
0x7d: {  	_ =	shalt  }
0x7e: {  	_ =	shalt  }
0x7f: {  	_ =	shalt  }
0x80: {  	_ =	shalt  }
0x81: {  	_ =	shalt  }
0x82: {  	_ =	shalt  }
0x83: {  	_ =	shalt  }
0x84: {  	_ =	shalt  }
0x85: {  	_ =	shalt  }
0x86: {  	_ =	shalt  }
0x87: {  	_ =	shalt  }
.Lfunc_end0:
.L_simem_size_0:
called_computation_lowered:
.L_overlay_start_0:
0x88: {  	s2 =	sld [smem:$0x3FD9]  }
0x89: {  	s3 =	sld [smem:$0x3FFE];
	_ =	sdelay $0x1  }
0x8a: {  	s1 =	srdreg.scid  }
0x8b: {  	s0 =	sand.u32 $0x1, s1  }
0x8c: {  	s17 =	sshll.u32 s0, $0xA;
	s2 =	sadd.s32 s3, s2  }
0x8d: {  	s2 =	sadd.s32 s2, s17  }
0x8e: {  	[smem:$0x3FC4] =	sst s2  }
0x8f: {  	_ = 	snop  }
0x90: {  	s2 =	sld [smem:$0x3FC9]  }
0x91: {  	s18 =	sld [smem:$0x3FC7];
	(tm) =	ssettm $0x1  }
0x92: {  	s4 =	sld [smem:$0x3FFB];
	_ =	sdelay $0x3  }
0x93: {  	_ =	strace s4  }
0x94: {  	s4 =	sld [smem:$0x3FFC];
	_ =	sdelay $0x3  }
0x95: {  	_ =	strace s4  }
0x96: {  	s4 =	sld [smem:$0x3FFD];
	_ =	sdelay $0x3  }
0x97: {  	_ =	strace s4  }
0x98: {  	_ =	strace $0x8FFFFFFF  }
0x99: {  	s19 =	sld [smem:$0x3FDB];
	_ =	sdelay $0x1  }
0x9a: {  	s5 =	simm.s32 $_scs_section_size  }
0x9b: {  	s6 =	simm.s32 $_size__tile_overlayer_lowered;
	s7 =	simm.s32 $_tile_overlayer_lowered  }
0x9c: {  	s22 =	simm.s32 $0x1BFF;
	s21 =	sshll.u32 s7, $0x1;
	s4 =	sadd.s32 s5, s19  }
0x9d: {  	s8 =	simm.s32 $0x0;
	s20 =	sshll.u32 s6, $0x1;
	s6 =	sadd.s32 s21, s4  }
0x9e: {  	[timem:s8], [sflag:s22] =	dma.local [hbm:s6], s20  }
0x9f: {  	_ =	swait.ge [sflag:s22], s20  }
0xa0: {  	s5 =	ssub.s32 $0x0, s20;
	[sflag:s22] =	ssyncset.done $0x0  }
0xa1: {  	[sflag:s22] =	ssyncadd.s32 s5;
	_ =	sdelay $0x1  }
0xa2: {  	s23 =	simm.s32 $0x1B8B  }
0xa3: {  	_ =	swait.ge [sflag:s23], $0x1  }
0xa4: {  	[sflag:s23] =	ssyncset.done $0x0  }
0xa5: {  	s25 =	simm.s32 $0x1B8E;
	s24 =	sld [smem:$0x3FFE];
	[sflag:s23] =	ssyncadd.s32 $0xFFFFFFFF  }
0xa6: {  	s26 =	simm.s32 $execute0_lowered;
	[smem:$0x3FD2] =	sst s25  }
0xa7: {  	s6 =	sshll.u32 s26, $0x1;
	_ =	strace $0x80000046;
	[dreg:$0x1] =	wrdreg $0xFFFFFFFF  }
0xa8: {  	s28 =	simm.s32 $_size_execute0_lowered;
	s4 =	sadd.s32 s4, s6;
	[dreg:$0x0] =	wrdreg $0x0  }
0xa9: {  	s6 =	sshll.u32 s28, $0x1;
	[dreg:$0x2] =	wrdreg s4  }
0xaa: {  	[dreg:$0x3] =	wrdreg s6  }
0xab: {  	[dreg:$0x4] =	wrdreg $0xC0  }
0xac: {  	_ =	task [dreg:s8], $0x5FFFF  }
0xad: {  	[dreg:$0x1] =	wrdreg $0xFFFFFFFF  }
0xae: {  	[dreg:$0x0] =	wrdreg $0x60  }
0xaf: {  	[dreg:$0x2] =	wrdreg s2  }
0xb0: {  	[dreg:$0x3] =	wrdreg s18  }
0xb1: {  	[dreg:$0x4] =	wrdreg s24  }
0xb2: {  	[dreg:$0x5] =	wrdreg $0x9  }
0xb3: {  	_ =	task.clear_ibuf [dreg:s8], $0x6FFFF;
	_ =	strace $0x90000046  }
0xb4: {  	s29 =	simm.s32 $0x9;
	_ =	strace $0x80000048  }
0xb5: {  	_ =	swait.ge [sflag:s29], $0x1  }
0xb6: {  	[sflag:s29] =	ssyncadd.s32 $0xFFFFFFFF  }
0xb7: {  	_ =	strace $0x90000048  }
0xb8: {  	_ =	sfence  }
0xb9: {  	s30 =	sld [smem:$0x0];
	_ =	sdelay $0x2  }
0xba: {  	s31 =	sshll.u32 s1, $0xD;
	s1 =	sshrl.u32 s1, $0x2  }
0xbb: {  	s3 =	sand.u32 $0x4000, s31;
	s1 =	sadd.s32 s1, s30  }
0xbc: {  	s0 =	sor.u32 s3, s0;
	s1 =	sshll.u32 s1, $0x11  }
0xbd: {  	s0 =	sor.u32 s1, s0  }
0xbe: {  	s0 =	sadd.s32 $0x8F2B, s0  }
0xbf: {  	[sflag:s0] =	ssyncadd.remote.s32 $0x1  }
0xc0: {  	_ =	sfence.sel $0xFFFF  }
0xc1: {  	[dreg:$0x0] =	wrdreg $0xFFFFFFFF;
	(pc) =	sbr.abs _section_cstart, $3  }
0xc2: {  	[dreg:$0x1] =	wrdreg $0xFFFFFFFF  }
0xc3: {  	_ =	task.clear_ibuf [dreg:s8], $0x2FFFF;
	_ =	strace $0x9FFFFFFF  }
0xc4: {  	(tm) =	ssettm $0x7FFFFFFF  }
0xc5: {  	_ =	shalt  }
tec
execute0_lowered:
.L_overlay_start_1:
0x0: {  	(tag) =	ssettag $0x1  }
0x1: {  	s3 =	rddreg [dreg:$0x0]  }
0x2: {  	s4 =	rddreg [dreg:$0x1]  }
0x3: {  	s1 =	srdreg.scid;
	s0 =	stileid.u32  }
0x4: {  	s6 =	rddreg [dreg:$0x2];
	s7 =	sand.u32 $0x1, s1;
	s5 =	sshll.u32 s0, $0x1  }
0x5: {  	s2 =	simm.s32 $0x0;
	s1 =	rddreg [dreg:$0x3];
	s9 =	sor.u32 s7, s5  }
0x6: {  	[smem:$0x7FF] =	sst s2;
	s8 =	sshll.u32 s9, $0x5  }
0x7: {  	_ =	strace $0x80000047;
	s5 =	simm.s32 $0x3;
	s4 =	sadd.s32 s4, s8  }
0x8: {  	[tilespmem:s2], [sflag:$0x3] =	stream.linear.gather [hbm4b:s4+s2], $0x100, $0x38;
	[tilespmem:$0x500] =	vst v63  }
0x9: {  	_ =	swait.ge [sflag:s5], $0x100  }
0xa: {  	[sflag:s5] =	ssyncset.done $0x0  }
0xb: {  	[sflag:s5] =	ssyncadd.s32 $0xFFFFFF00  }
0xc: {  	v2 =	vld [tilespmem:$0xF0];
	_ =	sdelay $0x1  }
0xd: {  	s9 =	sshll.u32 s9, $0x10;
	v4 =	vld [tilespmem:$0xE0]  }
0xe: {  	s10 =	sor.u32 $0x8000, s9  }
0xf: {  	s28 =	sor.u32 $0xC000, s9;
	v0 =	vmov s10;
	v5 =	vld [tilespmem:$0x60]  }
0x10: {  	v1 =	vmov s28;
	v8 =	vld [tilespmem:$0x0];
	v3 =	vadd.s32 v0, v2  }
0x11: {  	v7 =	vadd.s32 v1, v2;
	[tilespmem:$0x1F0] =	vst v3  }
0x12: {  	s29 =	sor.u32 $0x4000, s9;
	v6 =	vld [tilespmem:$0x50];
	v9 =	vadd.s32 v0, v4;
	[tilespmem:$0x2F0] =	vst v7  }
0x13: {  	v2 =	vmov s29;
	v4 =	vadd.s32 v1, v4;
	v7 =	vld [tilespmem:$0x10];
	[tilespmem:$0x1E0] =	vst v9  }
0x14: {  	v10 =	vadd.s32 v2, v5;
	[tilespmem:$0x2E0] =	vst v4  }
0x15: {  	v3 =	vmov s9;
	v4 =	vadd.s32 v2, v8;
	[tilespmem:$0x260] =	vst v10  }
0x16: {  	v60 =	vld [tilespmem:$0x90];
	v5 =	vadd.s32 v3, v5;
	[tilespmem:$0x200] =	vst v4  }
0x17: {  	[tilespmem:$0x160] =	vst v5;
	v5 =	vadd.s32 v2, v6  }
0x18: {  	[tilespmem:$0x250] =	vst v5;
	v5 =	vadd.s32 v2, v7  }
0x19: {  	v4 =	vld [tilespmem:$0x40];
	v7 =	vadd.s32 v3, v7;
	[tilespmem:$0x210] =	vst v5  }
0x1a: {  	v5 =	vadd.s32 v3, v8;
	[tilespmem:$0x110] =	vst v7  }
0x1b: {  	v8 =	vld [tilespmem:$0x80];
	v7 =	vadd.s32 v1, v60;
	[tilespmem:$0x100] =	vst v5  }
0x1c: {  	v5 =	vadd.s32 v3, v6;
	[tilespmem:$0x290] =	vst v7  }
0x1d: {  	v62 =	vld [tilespmem:$0xC0];
	v7 =	vadd.s32 v0, v60;
	[tilespmem:$0x150] =	vst v5  }
0x1e: {  	v6 =	vld [tilespmem:$0x30];
	v5 =	vadd.s32 v2, v4;
	[tilespmem:$0x190] =	vst v7  }
0x1f: {  	v61 =	vld [tilespmem:$0x70];
	v4 =	vadd.s32 v3, v4;
	[tilespmem:$0x240] =	vst v5  }
0x20: {  	[tilespmem:$0x140] =	vst v4;
	v7 =	vadd.s32 v1, v8  }
0x21: {  	v5 =	vadd.s32 v0, v8;
	[tilespmem:$0x280] =	vst v7  }
0x22: {  	v8 =	vadd.s32 v1, v62;
	[tilespmem:$0x180] =	vst v5  }
0x23: {  	s7 =	ssub.s32 $0x2, s7;
	v4 =	vadd.s32 v2, v6;
	v7 =	vld [tilespmem:$0xB0];
	[tilespmem:$0x2C0] =	vst v8  }
0x24: {  	s30 =	sshrl.u32 s7, $0x1;
	v5 =	vadd.s32 v3, v61;
	[tilespmem:$0x230] =	vst v4  }
0x25: {  	s31 =	ssub.s32 s7, s30;
	v8 =	vadd.s32 v0, v62;
	v4 =	vld [tilespmem:$0x20];
	[tilespmem:$0x170] =	vst v5  }
0x26: {  	s19 =	smax.u32 s31, $0x1;
	v5 =	vadd.s32 v3, v6;
	v6 =	vld [tilespmem:$0xA0];
	[tilespmem:$0x1C0] =	vst v8  }
0x27: {  	s12 =	simm.s32 $0x100;
	p0 =	sne.s32 s19, $0x1;
	v63 =	vld [tilespmem:$0xD0];
	[tilespmem:$0x130] =	vst v5;
	v5 =	vadd.s32 v2, v61  }
.Ltmp0:
0x28: {  	s13 =	simm.s32 $0x180;
	s15 =	simm.s32 $0x380;
	[tilespmem:$0x270] =	vst v5;
	v8 =	vadd.s32 v0, v7;
	(pc) =	sbr.rel @!p0 .LBB2_2-.Ltmp0, $4  }
0x29: {  	s16 =	simm.s32 $0x200;
	s17 =	simm.s32 $0x280;
	s18 =	simm.s32 $0x480;
	v7 =	vadd.s32 v1, v7;
	[tilespmem:$0x1B0] =	vst v8  }
0x2a: {  	s14 =	simm.s32 $0x1;
	s11 =	simm.s32 $0x2;
	s8 =	sadd.s32 s8, s6;
	v5 =	vadd.s32 v2, v4;
	[tilespmem:$0x2B0] =	vst v7  }
0x2b: {  	s6 =	sadd.s32 $0xA00, s8;
	s7 =	sadd.s32 $0xE00, s8;
	s10 =	simm.s32 $0x80;
	v8 =	vadd.s32 v3, v4;
	v4 =	vadd.s32 v0, v6;
	[tilespmem:$0x220] =	vst v5  }
0x2c: {  	s8 =	simm.s32 $0x300;
	s19 =	sadd.s32 $0xFFFFFFFF, s19;
	s9 =	simm.s32 $0x400;
	v7 =	vadd.s32 v1, v63;
	v5 =	vadd.s32 v1, v6;
	v6 =	vadd.s32 v0, v63;
	[tilespmem:$0x120] =	vst v8  }
.LBB2_1:
0x2d: {  	p0 =	sne.s32 s19, $0x1;
	s19 =	sadd.s32 $0xFFFFFFFF, s19;
	[tilespmem:$0x2D0] =	vst v7  }
0x2e: {  	[tilespmem:$0x2A0] =	vst v5  }
0x2f: {  	[tilespmem:$0x1D0] =	vst v6  }
0x30: {  	[tilespmem:$0x1A0] =	vst v4  }
0x31: {  	[tilespmem:s8], [sflag:$0x1] =	stream.indirect.gather [hbm4b:s3+s10], $0x1, s12, s10, $0xb8;
	[tilespmem:$0x500] =	vst v63  }
0x32: {  	_ = 	snop  }
0x33: {  	[tilespmem:s15], [sflag:$0x1] =	stream.indirect.gather [hbm4b:s3+s10], $0x1, s13, s10, $0xb8;
	[tilespmem:$0x500] =	vst v63  }
0x34: {  	_ = 	snop  }
0x35: {  	[tilespmem:s9], [sflag:$0x1] =	stream.indirect.gather [hbm4b:s3+s10], $0x1, s16, s10, $0xb8;
	[tilespmem:$0x500] =	vst v63  }
0x36: {  	_ = 	snop  }
0x37: {  	[tilespmem:s18], [sflag:$0x1] =	stream.indirect.gather [hbm4b:s3+s10], $0x1, s17, s10, $0xb8;
	[tilespmem:$0x500] =	vst v63  }
0x38: {  	_ =	swait.ge [sflag:s14], $0x80  }
0x39: {  	[sflag:s14] =	ssyncset.done $0x0  }
0x3a: {  	[sflag:s14] =	ssyncadd.s32 $0xFFFFFF80  }
0x3b: {  	_ =	swait.ge [sflag:s14], $0x80  }
0x3c: {  	[sflag:s14] =	ssyncset.done $0x0  }
0x3d: {  	[sflag:s14] =	ssyncadd.s32 $0xFFFFFF80  }
0x3e: {  	_ =	swait.ge [sflag:s14], $0x80  }
0x3f: {  	[sflag:s14] =	ssyncset.done $0x0  }
0x40: {  	[sflag:s14] =	ssyncadd.s32 $0xFFFFFF80  }
0x41: {  	_ =	swait.ge [sflag:s14], $0x80  }
0x42: {  	[sflag:s14] =	ssyncset.done $0x0  }
0x43: {  	[sflag:s14] =	ssyncadd.s32 $0xFFFFFF80  }
0x44: {  	[hbm4b:s6+s2] =	stream.linear.scatter [tilespmem:s8], [sflag:$0x2], $0x100, $0x38;
	[tilespmem:$0x500] =	vst v63  }
0x45: {  	_ = 	snop  }
0x46: {  	[hbm4b:s7+s2] =	stream.linear.scatter [tilespmem:s9], [sflag:$0x2], $0x100, $0x38;
	[tilespmem:$0x500] =	vst v63  }
0x47: {  	_ =	swait.ge [sflag:s11], $0x100  }
0x48: {  	[sflag:s11] =	ssyncset.done $0x0  }
0x49: {  	[sflag:s11] =	ssyncadd.s32 $0xFFFFFF00  }
0x4a: {  	_ =	swait.ge [sflag:s11], $0x100  }
0x4b: {  	[sflag:s11] =	ssyncset.done $0x0  }
0x4c: {  	[sflag:s11] =	ssyncadd.s32 $0xFFFFFF00  }
0x4d: {  	[tilespmem:s2], [sflag:$0x3] =	stream.linear.gather [hbm4b:s4+s2], $0x100, $0x38;
	[tilespmem:$0x500] =	vst v63  }
0x4e: {  	_ =	swait.ge [sflag:s5], $0x100  }
0x4f: {  	[sflag:s5] =	ssyncset.done $0x0  }
0x50: {  	[sflag:s5] =	ssyncadd.s32 $0xFFFFFF00  }
0x51: {  	v4 =	vld [tilespmem:$0xF0]  }
0x52: {  	v5 =	vld [tilespmem:$0xE0]  }
0x53: {  	v6 =	vld [tilespmem:$0x60]  }
0x54: {  	v7 =	vld [tilespmem:$0x10]  }
0x55: {  	v8 =	vld [tilespmem:$0x0]  }
0x56: {  	v9 =	vld [tilespmem:$0x50];
	v10 =	vadd.s32 v0, v4;
	v4 =	vadd.s32 v1, v4  }
0x57: {  	v11 =	vld [tilespmem:$0x40];
	v12 =	vadd.s32 v0, v5;
	v5 =	vadd.s32 v1, v5;
	[tilespmem:$0x1F0] =	vst v10  }
0x58: {  	v10 =	vld [tilespmem:$0x30];
	v13 =	vadd.s32 v3, v6;
	v6 =	vadd.s32 v2, v6;
	[tilespmem:$0x2F0] =	vst v4  }
0x59: {  	v4 =	vadd.s32 v3, v7;
	v7 =	vadd.s32 v2, v7;
	[tilespmem:$0x1E0] =	vst v12  }
0x5a: {  	v12 =	vadd.s32 v3, v8;
	v8 =	vadd.s32 v2, v8;
	[tilespmem:$0x260] =	vst v6  }
0x5b: {  	v6 =	vadd.s32 v3, v9;
	v9 =	vadd.s32 v2, v9;
	[tilespmem:$0x160] =	vst v13;
	v13 =	vld [tilespmem:$0x90]  }
0x5c: {  	v14 =	vadd.s32 v3, v11;
	v11 =	vadd.s32 v2, v11;
	v15 =	vld [tilespmem:$0x80];
	[tilespmem:$0x2E0] =	vst v5  }
0x5d: {  	v16 =	vadd.s32 v3, v10;
	v5 =	vadd.s32 v2, v10;
	[tilespmem:$0x250] =	vst v9;
	v9 =	vld [tilespmem:$0x70]  }
0x5e: {  	[tilespmem:$0x200] =	vst v8;
	v8 =	vld [tilespmem:$0x20]  }
0x5f: {  	[tilespmem:$0x210] =	vst v7  }
0x60: {  	[tilespmem:$0x110] =	vst v4;
	v4 =	vadd.s32 v0, v13;
	v7 =	vadd.s32 v1, v13  }
0x61: {  	[tilespmem:$0x100] =	vst v12;
	v10 =	vadd.s32 v0, v15;
	v12 =	vadd.s32 v1, v15  }
0x62: {  	v13 =	vadd.s32 v3, v9;
	v9 =	vadd.s32 v2, v9;
	[tilespmem:$0x290] =	vst v7  }
0x63: {  	v15 =	vadd.s32 v3, v8;
	v7 =	vadd.s32 v2, v8;
	[tilespmem:$0x150] =	vst v6  }
0x64: {  	[tilespmem:$0x190] =	vst v4;
	v4 =	vld [tilespmem:$0xC0]  }
0x65: {  	[tilespmem:$0x240] =	vst v11;
	v6 =	vld [tilespmem:$0xB0]  }
0x66: {  	[tilespmem:$0x280] =	vst v12;
	v8 =	vld [tilespmem:$0xA0]  }
0x67: {  	[tilespmem:$0x140] =	vst v14  }
0x68: {  	[tilespmem:$0x180] =	vst v10  }
0x69: {  	[tilespmem:$0x230] =	vst v5;
	v10 =	vadd.s32 v0, v4;
	v11 =	vadd.s32 v1, v4  }
0x6a: {  	[tilespmem:$0x170] =	vst v13;
	v12 =	vadd.s32 v0, v6;
	v6 =	vadd.s32 v1, v6  }
0x6b: {  	v4 =	vadd.s32 v0, v8;
	v5 =	vadd.s32 v1, v8;
	[tilespmem:$0x2C0] =	vst v11  }
0x6c: {  	[tilespmem:$0x130] =	vst v16;
	v8 =	vld [tilespmem:$0xD0]  }
0x6d: {  	[tilespmem:$0x1C0] =	vst v10  }
.Ltmp1:
0x6e: {  	[tilespmem:$0x270] =	vst v9;
	(pc) =	sbr.rel @p0 .LBB2_1-.Ltmp1, $4  }
0x6f: {  	[tilespmem:$0x1B0] =	vst v12  }
0x70: {  	[tilespmem:$0x220] =	vst v7  }
0x71: {  	[tilespmem:$0x2B0] =	vst v6;
	v6 =	vadd.s32 v0, v8;
	v7 =	vadd.s32 v1, v8  }
0x72: {  	[tilespmem:$0x120] =	vst v15  }
.LBB2_2:
0x73: {  	[tilespmem:$0x2D0] =	vst v7  }
0x74: {  	[tilespmem:$0x2A0] =	vst v5  }
0x75: {  	[tilespmem:$0x1D0] =	vst v6  }
0x76: {  	[tilespmem:$0x1A0] =	vst v4  }
0x77: {  	[tilespmem:s8], [sflag:$0x1] =	stream.indirect.gather [hbm4b:s3+s10], $0x1, s12, s10, $0xb8;
	[tilespmem:$0x500] =	vst v63  }
0x78: {  	_ = 	snop  }
0x79: {  	[tilespmem:s15], [sflag:$0x1] =	stream.indirect.gather [hbm4b:s3+s10], $0x1, s13, s10, $0xb8;
	[tilespmem:$0x500] =	vst v63  }
0x7a: {  	_ = 	snop  }
0x7b: {  	[tilespmem:s9], [sflag:$0x1] =	stream.indirect.gather [hbm4b:s3+s10], $0x1, s16, s10, $0xb8;
	[tilespmem:$0x500] =	vst v63  }
0x7c: {  	_ = 	snop  }
0x7d: {  	[tilespmem:s18], [sflag:$0x1] =	stream.indirect.gather [hbm4b:s3+s10], $0x1, s17, s10, $0xb8;
	[tilespmem:$0x500] =	vst v63  }
0x7e: {  	_ =	swait.ge [sflag:s14], $0x80  }
0x7f: {  	[sflag:s14] =	ssyncset.done $0x0  }
0x80: {  	[sflag:s14] =	ssyncadd.s32 $0xFFFFFF80  }
0x81: {  	_ =	swait.ge [sflag:s14], $0x80  }
0x82: {  	[sflag:s14] =	ssyncset.done $0x0  }
0x83: {  	[sflag:s14] =	ssyncadd.s32 $0xFFFFFF80  }
0x84: {  	_ =	swait.ge [sflag:s14], $0x80  }
0x85: {  	[sflag:s14] =	ssyncset.done $0x0  }
0x86: {  	[sflag:s14] =	ssyncadd.s32 $0xFFFFFF80  }
0x87: {  	_ =	swait.ge [sflag:s14], $0x80  }
0x88: {  	[sflag:s14] =	ssyncset.done $0x0  }
0x89: {  	[sflag:s14] =	ssyncadd.s32 $0xFFFFFF80  }
0x8a: {  	[hbm4b:s6+s2] =	stream.linear.scatter [tilespmem:s8], [sflag:$0x2], $0x100, $0x38;
	[tilespmem:$0x500] =	vst v63  }
0x8b: {  	_ = 	snop  }
0x8c: {  	[hbm4b:s7+s2] =	stream.linear.scatter [tilespmem:s9], [sflag:$0x2], $0x100, $0x38;
	[tilespmem:$0x500] =	vst v63  }
0x8d: {  	_ =	swait.ge [sflag:s11], $0x100  }
0x8e: {  	[sflag:s11] =	ssyncset.done $0x0  }
0x8f: {  	[sflag:s11] =	ssyncadd.s32 $0xFFFFFF00  }
0x90: {  	_ =	swait.ge [sflag:s11], $0x100  }
0x91: {  	[sflag:s11] =	ssyncset.done $0x0  }
0x92: {  	[sflag:s11] =	ssyncadd.s32 $0xFFFFFF00  }
0x93: {  	_ =	sfence.sel $0x180000  }
0x94: {  	[bflag:$0x0] =	sbarrier.arrive $0xFFFF  }
0x95: {  	p0 =	sne.s32 s0, $0x0;
	_ =	strace $0x90000047  }
0x96: {  	s0 =	sadd.s32 @!p0 $0x100000, s1;
	[bflag:$0x2] =	sbarrier.arrive $0xFFFF  }
0x97: {  	[sflag:s0] =	ssyncadd.tile.s32 @!p0 $0x1;
	_ =	shalt  }
.Lfunc_end2:
_tile_overlayer_lowered:
.L_overlay_start_2:
0x98: {  	(tag) =	ssettag $0x2  }
0x99: {  	s0 =	rddreg [dreg:$0x0];
	s2 =	stileid.u32  }
0x9a: {  	s1 =	rddreg [dreg:$0x1];
	p0 =	sne.s32 s2, $0x0  }
0x9b: {  	s3 =	rddreg [dreg:$0x2];
	[bflag:$0x3] =	sbarrier.arrive $0xFFFF;
	s2 =	simm.s32 @!p0 $0x1C03  }
0x9c: {  	[timem:s3], [sflag:s2] =	dma.local @!p0 [hbm:s0], s1  }
0x9d: {  	s0 =	simm.s32 @!p0 $0x3  }
0x9e: {  	_ =	swait.ge @!p0 [sflag:s0], s1  }
0x9f: {  	s1 =	ssub.s32 @!p0 $0x0, s1;
	[sflag:s0] =	ssyncset.done @!p0 $0x0  }
0xa0: {  	[sflag:s0] =	ssyncadd.s32 @!p0 s1  }
0xa1: {  	[bflag:$0x3] =	sbarrier.arrive $0xFFFF  }
0xa2: {  	_ =	shalt  }

</sc_bundles>
